<compile_context>
chip_gen: v7x
topology: tpu7x:2x2x1
jax: 0.10.2.dev20260603
libtpu: 0.0.44.dev20260713+nightly
codegen_flags: <defaults>
</compile_context>

<pallas_src>
import jax
import jax.numpy as jnp
from jax import lax
from jax.experimental import pallas as pl
from jax.experimental.pallas import tpu as pltpu
from jax.experimental.pallas import tpu_sc as plsc

BATCH = 16384
N_FIELDS = 26
VOCAB = 1000000
NW = 32
BPW = BATCH // NW
IDX_PW = BPW * N_FIELDS
NGROUP = BPW // 16


def _emb_body(xt_hbm, tt_hbm, out_hbm, idx1_v, vals_v, o_v, sem):
    wid = lax.axis_index("s") * 2 + lax.axis_index("c")
    base = wid * BPW
    for f in range(N_FIELDS):
        dst = idx1_v.at[pl.ds(pl.multiple_of(f * BPW, BPW), BPW)]
        pltpu.make_async_copy(xt_hbm.at[f].at[pl.ds(base, BPW)], dst, sem).start()
    for f in range(N_FIELDS):
        dst = idx1_v.at[pl.ds(pl.multiple_of(f * BPW, BPW), BPW)]
        pltpu.make_async_copy(xt_hbm.at[f].at[pl.ds(base, BPW)], dst, sem).wait()

    tflat = tt_hbm.at[0]
    pltpu.make_async_copy(tflat.at[idx1_v], vals_v, sem).start()
    pltpu.make_async_copy(tflat.at[idx1_v], vals_v, sem).wait()

    def group(g, carry):
        o16 = pl.multiple_of(g * 16, 16)
        acc0 = vals_v[pl.ds(o16, 16)]
        acc1 = vals_v[pl.ds(o16 + BPW, 16)]
        for f in range(2, N_FIELDS, 2):
            acc0 = acc0 + vals_v[pl.ds(o16 + f * BPW, 16)]
            acc1 = acc1 + vals_v[pl.ds(o16 + (f + 1) * BPW, 16)]
        s = acc0 + acc1
        o_v[pl.ds(o16, 16)] = 1.0 / (1.0 + jnp.exp(-s))
        return carry

    lax.fori_loop(0, NGROUP, group, 0)
    pltpu.sync_copy(o_v, out_hbm.at[pl.ds(base, BPW)])


def _emb_call(xt, tt):
    mesh = plsc.VectorSubcoreMesh(core_axis_name="c", subcore_axis_name="s")
    return pl.kernel(
        _emb_body,
        out_type=jax.ShapeDtypeStruct((BATCH,), jnp.float32),
        mesh=mesh,
        scratch_types=[
            pltpu.VMEM((IDX_PW,), jnp.int32),
            pltpu.VMEM((IDX_PW,), jnp.float32),
            pltpu.VMEM((BPW,), jnp.float32),
            pltpu.SemaphoreType.DMA,
        ],
        compiler_params=pltpu.CompilerParams(
            needs_layout_passes=False, use_tc_tiling_on_sc=True),
    )(xt, tt)


def kernel(x, table):
    xt = x.astype(jnp.int32).T
    return _emb_call(xt, table.T).reshape(BATCH, 1)

# --- scband reference (transcript-rebuilt; emitter-appended) ---
"""Pipeline reference for scband-lrftrl3-86955907875101 (READ-ONLY COPY).

The authoritative reference and input builder live on the scoring server;
editing this copy changes nothing except your own understanding.
"""

import jax, jax.numpy as jnp
import numpy as np

VOCAB = 1000000
EMBED_DIM = 1
BATCH = 16384
N_FIELDS = 26

def setup_inputs(seed: int = 0) -> dict:
    key = jax.random.key(seed)
    k_idx, k_tab = jax.random.split(key)
    x = jax.random.randint(k_idx, (BATCH, N_FIELDS), 0, VOCAB, dtype=jnp.int64 if jax.config.jax_enable_x64 else jnp.int32)
    # NormalTensorInitializer(var=0.01) -> std = 0.1
    table = jax.random.normal(k_tab, (VOCAB, EMBED_DIM), dtype=jnp.float32) * jnp.sqrt(0.01)
    return {"x": x, "table": table}

def reference(x, table):
    # ms.EmbeddingSumConcat: lookup each sparse field's embedding and concat -> [B, n_fields * dim]
    emb = jnp.take(table, x, axis=0)                 # [B, n_fields, dim]
    wide_out = emb.reshape(x.shape[0], -1)           # [B, n_fields * dim]
    # torch.sum(wide_out, dim=1, keepdim=True)
    wide_out = jnp.sum(wide_out, axis=1, keepdims=True)  # [B, 1]
    # Sigmoid
    return jax.nn.sigmoid(wide_out)

if __name__ == "__main__":
    import jax
    _d = setup_inputs()
    print(jax.jit(kernel)(*tuple(_d.values())))

</pallas_src>

<mosaic_0001>
#map = affine_map<(d0, d1) -> (0, 0)>
#map1 = affine_map<(d0, d1) -> (0)>
module attributes {stable_mosaic.version = 14 : i64} {
  func.func @_emb_body(%arg0: i32, %arg1: i32, %arg2: memref<26x16384xi32, #tpu.memory_space<hbm>>, %arg3: memref<1x1000000xf32, #tpu.memory_space<hbm>>, %arg4: memref<16384xf32, #tpu.memory_space<hbm>>, %arg5: memref<13312xi32, #tpu.memory_space<vmem>>, %arg6: memref<13312xf32, #tpu.memory_space<vmem>>, %arg7: memref<512xf32, #tpu.memory_space<vmem>>, %arg8: memref<!tpu.dma_semaphore, #tpu.memory_space<semaphore_mem>>) attributes {dimension_semantics = [#tpu.dimension_semantics<core_parallel>, #tpu.dimension_semantics<subcore_parallel>], iteration_bounds = array<i64: 2, 16>, scalar_prefetch = 0 : i64, scratch_operands = 4 : i64, tpu.core_type = #tpu.core_type<sc_vector_subcore>, window_params = [{transform_indices = #map}, {transform_indices = #map}, {transform_indices = #map1}]} {
    %mul3A = arith.constant 2 : i32
    %mul3A_0 = arith.muli %arg1, %mul3A : i32
    %add3A = arith.addi %mul3A_0, %arg0 : i32
    %mul3A_1 = arith.constant 512 : i32
    %mul3A_2 = arith.muli %add3A, %mul3A_1 : i32
    %multiple_of3A = arith.constant 0 : i32
    %multiple_of3A_3 = tpu.assume_multiple %multiple_of3A, 512 : i32
    %dma_start3A = arith.constant 0 : i32
    %dma_start3A_4 = tpu.memref_slice %arg5[%multiple_of3A_3] : memref<13312xi32, #tpu.memory_space<vmem>> -> memref<512xi32, #tpu.memory_space<vmem>>
    %dma_start3A_5 = arith.constant 0 : i32
    %dma_start3A_6 = tpu.memref_slice %arg2[%dma_start3A, %dma_start3A_5] : memref<26x16384xi32, #tpu.memory_space<hbm>> -> memref<1x16384xi32, #tpu.memory_space<hbm>>
    %dma_start3A_7 = tpu.memref_squeeze %dma_start3A_6 : memref<1x16384xi32, #tpu.memory_space<hbm>> -> memref<16384xi32, #tpu.memory_space<hbm>>
    %dma_start3A_8 = tpu.memref_slice %dma_start3A_7[%mul3A_2] : memref<16384xi32, #tpu.memory_space<hbm>> -> memref<512xi32, #tpu.memory_space<hbm>>
    %dma_start3A_9 = tpu.memref_slice %arg5[%multiple_of3A_3] : memref<13312xi32, #tpu.memory_space<vmem>> -> memref<512xi32, #tpu.memory_space<vmem>>
    %dma_start3A_10 = arith.constant 0 : i32
    %dma_start3A_11 = tpu.memref_slice %arg2[%dma_start3A, %dma_start3A_10] : memref<26x16384xi32, #tpu.memory_space<hbm>> -> memref<1x16384xi32, #tpu.memory_space<hbm>>
    %dma_start3A_12 = tpu.memref_squeeze %dma_start3A_11 : memref<1x16384xi32, #tpu.memory_space<hbm>> -> memref<16384xi32, #tpu.memory_space<hbm>>
    %dma_start3A_13 = tpu.memref_slice %dma_start3A_12[%mul3A_2] : memref<16384xi32, #tpu.memory_space<hbm>> -> memref<512xi32, #tpu.memory_space<hbm>>
    tpu.enqueue_dma source(%dma_start3A_13 : memref<512xi32, #tpu.memory_space<hbm>>) target(%dma_start3A_9 : memref<512xi32, #tpu.memory_space<vmem>>) target_semaphore(%arg8 : memref<!tpu.dma_semaphore, #tpu.memory_space<semaphore_mem>>)
    %multiple_of3A_14 = arith.constant 512 : i32
    %multiple_of3A_15 = tpu.assume_multiple %multiple_of3A_14, 512 : i32
    %dma_start3A_16 = arith.constant 1 : i32
    %dma_start3A_17 = tpu.memref_slice %arg5[%multiple_of3A_15] : memref<13312xi32, #tpu.memory_space<vmem>> -> memref<512xi32, #tpu.memory_space<vmem>>
    %dma_start3A_18 = arith.constant 0 : i32
    %dma_start3A_19 = tpu.memref_slice %arg2[%dma_start3A_16, %dma_start3A_18] : memref<26x16384xi32, #tpu.memory_space<hbm>> -> memref<1x16384xi32, #tpu.memory_space<hbm>>
    %dma_start3A_20 = tpu.memref_squeeze %dma_start3A_19 : memref<1x16384xi32, #tpu.memory_space<hbm>> -> memref<16384xi32, #tpu.memory_space<hbm>>
    %dma_start3A_21 = tpu.memref_slice %dma_start3A_20[%mul3A_2] : memref<16384xi32, #tpu.memory_space<hbm>> -> memref<512xi32, #tpu.memory_space<hbm>>
    %dma_start3A_22 = tpu.memref_slice %arg5[%multiple_of3A_15] : memref<13312xi32, #tpu.memory_space<vmem>> -> memref<512xi32, #tpu.memory_space<vmem>>
    %dma_start3A_23 = arith.constant 0 : i32
    %dma_start3A_24 = tpu.memref_slice %arg2[%dma_start3A_16, %dma_start3A_23] : memref<26x16384xi32, #tpu.memory_space<hbm>> -> memref<1x16384xi32, #tpu.memory_space<hbm>>
    %dma_start3A_25 = tpu.memref_squeeze %dma_start3A_24 : memref<1x16384xi32, #tpu.memory_space<hbm>> -> memref<16384xi32, #tpu.memory_space<hbm>>
    %dma_start3A_26 = tpu.memref_slice %dma_start3A_25[%mul3A_2] : memref<16384xi32, #tpu.memory_space<hbm>> -> memref<512xi32, #tpu.memory_space<hbm>>
    tpu.enqueue_dma source(%dma_start3A_26 : memref<512xi32, #tpu.memory_space<hbm>>) target(%dma_start3A_22 : memref<512xi32, #tpu.memory_space<vmem>>) target_semaphore(%arg8 : memref<!tpu.dma_semaphore, #tpu.memory_space<semaphore_mem>>)
    %multiple_of3A_27 = arith.constant 1024 : i32
    %multiple_of3A_28 = tpu.assume_multiple %multiple_of3A_27, 512 : i32
    %dma_start3A_29 = arith.constant 2 : i32
    %dma_start3A_30 = tpu.memref_slice %arg5[%multiple_of3A_28] : memref<13312xi32, #tpu.memory_space<vmem>> -> memref<512xi32, #tpu.memory_space<vmem>>
    %dma_start3A_31 = arith.constant 0 : i32
    %dma_start3A_32 = tpu.memref_slice %arg2[%dma_start3A_29, %dma_start3A_31] : memref<26x16384xi32, #tpu.memory_space<hbm>> -> memref<1x16384xi32, #tpu.memory_space<hbm>>
    %dma_start3A_33 = tpu.memref_squeeze %dma_start3A_32 : memref<1x16384xi32, #tpu.memory_space<hbm>> -> memref<16384xi32, #tpu.memory_space<hbm>>
    %dma_start3A_34 = tpu.memref_slice %dma_start3A_33[%mul3A_2] : memref<16384xi32, #tpu.memory_space<hbm>> -> memref<512xi32, #tpu.memory_space<hbm>>
    %dma_start3A_35 = tpu.memref_slice %arg5[%multiple_of3A_28] : memref<13312xi32, #tpu.memory_space<vmem>> -> memref<512xi32, #tpu.memory_space<vmem>>
    %dma_start3A_36 = arith.constant 0 : i32
    %dma_start3A_37 = tpu.memref_slice %arg2[%dma_start3A_29, %dma_start3A_36] : memref<26x16384xi32, #tpu.memory_space<hbm>> -> memref<1x16384xi32, #tpu.memory_space<hbm>>
    %dma_start3A_38 = tpu.memref_squeeze %dma_start3A_37 : memref<1x16384xi32, #tpu.memory_space<hbm>> -> memref<16384xi32, #tpu.memory_space<hbm>>
    %dma_start3A_39 = tpu.memref_slice %dma_start3A_38[%mul3A_2] : memref<16384xi32, #tpu.memory_space<hbm>> -> memref<512xi32, #tpu.memory_space<hbm>>
    tpu.enqueue_dma source(%dma_start3A_39 : memref<512xi32, #tpu.memory_space<hbm>>) target(%dma_start3A_35 : memref<512xi32, #tpu.memory_space<vmem>>) target_semaphore(%arg8 : memref<!tpu.dma_semaphore, #tpu.memory_space<semaphore_mem>>)
    %multiple_of3A_40 = arith.constant 1536 : i32
    %multiple_of3A_41 = tpu.assume_multiple %multiple_of3A_40, 512 : i32
    %dma_start3A_42 = arith.constant 3 : i32
    %dma_start3A_43 = tpu.memref_slice %arg5[%multiple_of3A_41] : memref<13312xi32, #tpu.memory_space<vmem>> -> memref<512xi32, #tpu.memory_space<vmem>>
    %dma_start3A_44 = arith.constant 0 : i32
    %dma_start3A_45 = tpu.memref_slice %arg2[%dma_start3A_42, %dma_start3A_44] : memref<26x16384xi32, #tpu.memory_space<hbm>> -> memref<1x16384xi32, #tpu.memory_space<hbm>>
    %dma_start3A_46 = tpu.memref_squeeze %dma_start3A_45 : memref<1x16384xi32, #tpu.memory_space<hbm>> -> memref<16384xi32, #tpu.memory_space<hbm>>
    %dma_start3A_47 = tpu.memref_slice %dma_start3A_46[%mul3A_2] : memref<16384xi32, #tpu.memory_space<hbm>> -> memref<512xi32, #tpu.memory_space<hbm>>
    %dma_start3A_48 = tpu.memref_slice %arg5[%multiple_of3A_41] : memref<13312xi32, #tpu.memory_space<vmem>> -> memref<512xi32, #tpu.memory_space<vmem>>
    %dma_start3A_49 = arith.constant 0 : i32
    %dma_start3A_50 = tpu.memref_slice %arg2[%dma_start3A_42, %dma_start3A_49] : memref<26x16384xi32, #tpu.memory_space<hbm>> -> memref<1x16384xi32, #tpu.memory_space<hbm>>
    %dma_start3A_51 = tpu.memref_squeeze %dma_start3A_50 : memref<1x16384xi32, #tpu.memory_space<hbm>> -> memref<16384xi32, #tpu.memory_space<hbm>>
    %dma_start3A_52 = tpu.memref_slice %dma_start3A_51[%mul3A_2] : memref<16384xi32, #tpu.memory_space<hbm>> -> memref<512xi32, #tpu.memory_space<hbm>>
    tpu.enqueue_dma source(%dma_start3A_52 : memref<512xi32, #tpu.memory_space<hbm>>) target(%dma_start3A_48 : memref<512xi32, #tpu.memory_space<vmem>>) target_semaphore(%arg8 : memref<!tpu.dma_semaphore, #tpu.memory_space<semaphore_mem>>)
    %multiple_of3A_53 = arith.constant 2048 : i32
    %multiple_of3A_54 = tpu.assume_multiple %multiple_of3A_53, 512 : i32
    %dma_start3A_55 = arith.constant 4 : i32
    %dma_start3A_56 = tpu.memref_slice %arg5[%multiple_of3A_54] : memref<13312xi32, #tpu.memory_space<vmem>> -> memref<512xi32, #tpu.memory_space<vmem>>
    %dma_start3A_57 = arith.constant 0 : i32
    %dma_start3A_58 = tpu.memref_slice %arg2[%dma_start3A_55, %dma_start3A_57] : memref<26x16384xi32, #tpu.memory_space<hbm>> -> memref<1x16384xi32, #tpu.memory_space<hbm>>
    %dma_start3A_59 = tpu.memref_squeeze %dma_start3A_58 : memref<1x16384xi32, #tpu.memory_space<hbm>> -> memref<16384xi32, #tpu.memory_space<hbm>>
    %dma_start3A_60 = tpu.memref_slice %dma_start3A_59[%mul3A_2] : memref<16384xi32, #tpu.memory_space<hbm>> -> memref<512xi32, #tpu.memory_space<hbm>>
    %dma_start3A_61 = tpu.memref_slice %arg5[%multiple_of3A_54] : memref<13312xi32, #tpu.memory_space<vmem>> -> memref<512xi32, #tpu.memory_space<vmem>>
    %dma_start3A_62 = arith.constant 0 : i32
    %dma_start3A_63 = tpu.memref_slice %arg2[%dma_start3A_55, %dma_start3A_62] : memref<26x16384xi32, #tpu.memory_space<hbm>> -> memref<1x16384xi32, #tpu.memory_space<hbm>>
    %dma_start3A_64 = tpu.memref_squeeze %dma_start3A_63 : memref<1x16384xi32, #tpu.memory_space<hbm>> -> memref<16384xi32, #tpu.memory_space<hbm>>
    %dma_start3A_65 = tpu.memref_slice %dma_start3A_64[%mul3A_2] : memref<16384xi32, #tpu.memory_space<hbm>> -> memref<512xi32, #tpu.memory_space<hbm>>
    tpu.enqueue_dma source(%dma_start3A_65 : memref<512xi32, #tpu.memory_space<hbm>>) target(%dma_start3A_61 : memref<512xi32, #tpu.memory_space<vmem>>) target_semaphore(%arg8 : memref<!tpu.dma_semaphore, #tpu.memory_space<semaphore_mem>>)
    %multiple_of3A_66 = arith.constant 2560 : i32
    %multiple_of3A_67 = tpu.assume_multiple %multiple_of3A_66, 512 : i32
    %dma_start3A_68 = arith.constant 5 : i32
    %dma_start3A_69 = tpu.memref_slice %arg5[%multiple_of3A_67] : memref<13312xi32, #tpu.memory_space<vmem>> -> memref<512xi32, #tpu.memory_space<vmem>>
    %dma_start3A_70 = arith.constant 0 : i32
    %dma_start3A_71 = tpu.memref_slice %arg2[%dma_start3A_68, %dma_start3A_70] : memref<26x16384xi32, #tpu.memory_space<hbm>> -> memref<1x16384xi32, #tpu.memory_space<hbm>>
    %dma_start3A_72 = tpu.memref_squeeze %dma_start3A_71 : memref<1x16384xi32, #tpu.memory_space<hbm>> -> memref<16384xi32, #tpu.memory_space<hbm>>
    %dma_start3A_73 = tpu.memref_slice %dma_start3A_72[%mul3A_2] : memref<16384xi32, #tpu.memory_space<hbm>> -> memref<512xi32, #tpu.memory_space<hbm>>
    %dma_start3A_74 = tpu.memref_slice %arg5[%multiple_of3A_67] : memref<13312xi32, #tpu.memory_space<vmem>> -> memref<512xi32, #tpu.memory_space<vmem>>
    %dma_start3A_75 = arith.constant 0 : i32
    %dma_start3A_76 = tpu.memref_slice %arg2[%dma_start3A_68, %dma_start3A_75] : memref<26x16384xi32, #tpu.memory_space<hbm>> -> memref<1x16384xi32, #tpu.memory_space<hbm>>
    %dma_start3A_77 = tpu.memref_squeeze %dma_start3A_76 : memref<1x16384xi32, #tpu.memory_space<hbm>> -> memref<16384xi32, #tpu.memory_space<hbm>>
    %dma_start3A_78 = tpu.memref_slice %dma_start3A_77[%mul3A_2] : memref<16384xi32, #tpu.memory_space<hbm>> -> memref<512xi32, #tpu.memory_space<hbm>>
    tpu.enqueue_dma source(%dma_start3A_78 : memref<512xi32, #tpu.memory_space<hbm>>) target(%dma_start3A_74 : memref<512xi32, #tpu.memory_space<vmem>>) target_semaphore(%arg8 : memref<!tpu.dma_semaphore, #tpu.memory_space<semaphore_mem>>)
    %multiple_of3A_79 = arith.constant 3072 : i32
    %multiple_of3A_80 = tpu.assume_multiple %multiple_of3A_79, 512 : i32
    %dma_start3A_81 = arith.constant 6 : i32
    %dma_start3A_82 = tpu.memref_slice %arg5[%multiple_of3A_80] : memref<13312xi32, #tpu.memory_space<vmem>> -> memref<512xi32, #tpu.memory_space<vmem>>
    %dma_start3A_83 = arith.constant 0 : i32
    %dma_start3A_84 = tpu.memref_slice %arg2[%dma_start3A_81, %dma_start3A_83] : memref<26x16384xi32, #tpu.memory_space<hbm>> -> memref<1x16384xi32, #tpu.memory_space<hbm>>
    %dma_start3A_85 = tpu.memref_squeeze %dma_start3A_84 : memref<1x16384xi32, #tpu.memory_space<hbm>> -> memref<16384xi32, #tpu.memory_space<hbm>>
    %dma_start3A_86 = tpu.memref_slice %dma_start3A_85[%mul3A_2] : memref<16384xi32, #tpu.memory_space<hbm>> -> memref<512xi32, #tpu.memory_space<hbm>>
    %dma_start3A_87 = tpu.memref_slice %arg5[%multiple_of3A_80] : memref<13312xi32, #tpu.memory_space<vmem>> -> memref<512xi32, #tpu.memory_space<vmem>>
    %dma_start3A_88 = arith.constant 0 : i32
    %dma_start3A_89 = tpu.memref_slice %arg2[%dma_start3A_81, %dma_start3A_88] : memref<26x16384xi32, #tpu.memory_space<hbm>> -> memref<1x16384xi32, #tpu.memory_space<hbm>>
    %dma_start3A_90 = tpu.memref_squeeze %dma_start3A_89 : memref<1x16384xi32, #tpu.memory_space<hbm>> -> memref<16384xi32, #tpu.memory_space<hbm>>
    %dma_start3A_91 = tpu.memref_slice %dma_start3A_90[%mul3A_2] : memref<16384xi32, #tpu.memory_space<hbm>> -> memref<512xi32, #tpu.memory_space<hbm>>
    tpu.enqueue_dma source(%dma_start3A_91 : memref<512xi32, #tpu.memory_space<hbm>>) target(%dma_start3A_87 : memref<512xi32, #tpu.memory_space<vmem>>) target_semaphore(%arg8 : memref<!tpu.dma_semaphore, #tpu.memory_space<semaphore_mem>>)
    %multiple_of3A_92 = arith.constant 3584 : i32
    %multiple_of3A_93 = tpu.assume_multiple %multiple_of3A_92, 512 : i32
    %dma_start3A_94 = arith.constant 7 : i32
    %dma_start3A_95 = tpu.memref_slice %arg5[%multiple_of3A_93] : memref<13312xi32, #tpu.memory_space<vmem>> -> memref<512xi32, #tpu.memory_space<vmem>>
    %dma_start3A_96 = arith.constant 0 : i32
    %dma_start3A_97 = tpu.memref_slice %arg2[%dma_start3A_94, %dma_start3A_96] : memref<26x16384xi32, #tpu.memory_space<hbm>> -> memref<1x16384xi32, #tpu.memory_space<hbm>>
    %dma_start3A_98 = tpu.memref_squeeze %dma_start3A_97 : memref<1x16384xi32, #tpu.memory_space<hbm>> -> memref<16384xi32, #tpu.memory_space<hbm>>
    %dma_start3A_99 = tpu.memref_slice %dma_start3A_98[%mul3A_2] : memref<16384xi32, #tpu.memory_space<hbm>> -> memref<512xi32, #tpu.memory_space<hbm>>
    %dma_start3A_100 = tpu.memref_slice %arg5[%multiple_of3A_93] : memref<13312xi32, #tpu.memory_space<vmem>> -> memref<512xi32, #tpu.memory_space<vmem>>
    %dma_start3A_101 = arith.constant 0 : i32
    %dma_start3A_102 = tpu.memref_slice %arg2[%dma_start3A_94, %dma_start3A_101] : memref<26x16384xi32, #tpu.memory_space<hbm>> -> memref<1x16384xi32, #tpu.memory_space<hbm>>
    %dma_start3A_103 = tpu.memref_squeeze %dma_start3A_102 : memref<1x16384xi32, #tpu.memory_space<hbm>> -> memref<16384xi32, #tpu.memory_space<hbm>>
    %dma_start3A_104 = tpu.memref_slice %dma_start3A_103[%mul3A_2] : memref<16384xi32, #tpu.memory_space<hbm>> -> memref<512xi32, #tpu.memory_space<hbm>>
    tpu.enqueue_dma source(%dma_start3A_104 : memref<512xi32, #tpu.memory_space<hbm>>) target(%dma_start3A_100 : memref<512xi32, #tpu.memory_space<vmem>>) target_semaphore(%arg8 : memref<!tpu.dma_semaphore, #tpu.memory_space<semaphore_mem>>)
    %multiple_of3A_105 = arith.constant 4096 : i32
    %multiple_of3A_106 = tpu.assume_multiple %multiple_of3A_105, 512 : i32
    %dma_start3A_107 = arith.constant 8 : i32
    %dma_start3A_108 = tpu.memref_slice %arg5[%multiple_of3A_106] : memref<13312xi32, #tpu.memory_space<vmem>> -> memref<512xi32, #tpu.memory_space<vmem>>
    %dma_start3A_109 = arith.constant 0 : i32
    %dma_start3A_110 = tpu.memref_slice %arg2[%dma_start3A_107, %dma_start3A_109] : memref<26x16384xi32, #tpu.memory_space<hbm>> -> memref<1x16384xi32, #tpu.memory_space<hbm>>
    %dma_start3A_111 = tpu.memref_squeeze %dma_start3A_110 : memref<1x16384xi32, #tpu.memory_space<hbm>> -> memref<16384xi32, #tpu.memory_space<hbm>>
    %dma_start3A_112 = tpu.memref_slice %dma_start3A_111[%mul3A_2] : memref<16384xi32, #tpu.memory_space<hbm>> -> memref<512xi32, #tpu.memory_space<hbm>>
    %dma_start3A_113 = tpu.memref_slice %arg5[%multiple_of3A_106] : memref<13312xi32, #tpu.memory_space<vmem>> -> memref<512xi32, #tpu.memory_space<vmem>>
    %dma_start3A_114 = arith.constant 0 : i32
    %dma_start3A_115 = tpu.memref_slice %arg2[%dma_start3A_107, %dma_start3A_114] : memref<26x16384xi32, #tpu.memory_space<hbm>> -> memref<1x16384xi32, #tpu.memory_space<hbm>>
    %dma_start3A_116 = tpu.memref_squeeze %dma_start3A_115 : memref<1x16384xi32, #tpu.memory_space<hbm>> -> memref<16384xi32, #tpu.memory_space<hbm>>
    %dma_start3A_117 = tpu.memref_slice %dma_start3A_116[%mul3A_2] : memref<16384xi32, #tpu.memory_space<hbm>> -> memref<512xi32, #tpu.memory_space<hbm>>
    tpu.enqueue_dma source(%dma_start3A_117 : memref<512xi32, #tpu.memory_space<hbm>>) target(%dma_start3A_113 : memref<512xi32, #tpu.memory_space<vmem>>) target_semaphore(%arg8 : memref<!tpu.dma_semaphore, #tpu.memory_space<semaphore_mem>>)
    %multiple_of3A_118 = arith.constant 4608 : i32
    %multiple_of3A_119 = tpu.assume_multiple %multiple_of3A_118, 512 : i32
    %dma_start3A_120 = arith.constant 9 : i32
    %dma_start3A_121 = tpu.memref_slice %arg5[%multiple_of3A_119] : memref<13312xi32, #tpu.memory_space<vmem>> -> memref<512xi32, #tpu.memory_space<vmem>>
    %dma_start3A_122 = arith.constant 0 : i32
    %dma_start3A_123 = tpu.memref_slice %arg2[%dma_start3A_120, %dma_start3A_122] : memref<26x16384xi32, #tpu.memory_space<hbm>> -> memref<1x16384xi32, #tpu.memory_space<hbm>>
    %dma_start3A_124 = tpu.memref_squeeze %dma_start3A_123 : memref<1x16384xi32, #tpu.memory_space<hbm>> -> memref<16384xi32, #tpu.memory_space<hbm>>
    %dma_start3A_125 = tpu.memref_slice %dma_start3A_124[%mul3A_2] : memref<16384xi32, #tpu.memory_space<hbm>> -> memref<512xi32, #tpu.memory_space<hbm>>
    %dma_start3A_126 = tpu.memref_slice %arg5[%multiple_of3A_119] : memref<13312xi32, #tpu.memory_space<vmem>> -> memref<512xi32, #tpu.memory_space<vmem>>
    %dma_start3A_127 = arith.constant 0 : i32
    %dma_start3A_128 = tpu.memref_slice %arg2[%dma_start3A_120, %dma_start3A_127] : memref<26x16384xi32, #tpu.memory_space<hbm>> -> memref<1x16384xi32, #tpu.memory_space<hbm>>
    %dma_start3A_129 = tpu.memref_squeeze %dma_start3A_128 : memref<1x16384xi32, #tpu.memory_space<hbm>> -> memref<16384xi32, #tpu.memory_space<hbm>>
    %dma_start3A_130 = tpu.memref_slice %dma_start3A_129[%mul3A_2] : memref<16384xi32, #tpu.memory_space<hbm>> -> memref<512xi32, #tpu.memory_space<hbm>>
    tpu.enqueue_dma source(%dma_start3A_130 : memref<512xi32, #tpu.memory_space<hbm>>) target(%dma_start3A_126 : memref<512xi32, #tpu.memory_space<vmem>>) target_semaphore(%arg8 : memref<!tpu.dma_semaphore, #tpu.memory_space<semaphore_mem>>)
    %multiple_of3A_131 = arith.constant 5120 : i32
    %multiple_of3A_132 = tpu.assume_multiple %multiple_of3A_131, 512 : i32
    %dma_start3A_133 = arith.constant 10 : i32
    %dma_start3A_134 = tpu.memref_slice %arg5[%multiple_of3A_132] : memref<13312xi32, #tpu.memory_space<vmem>> -> memref<512xi32, #tpu.memory_space<vmem>>
    %dma_start3A_135 = arith.constant 0 : i32
    %dma_start3A_136 = tpu.memref_slice %arg2[%dma_start3A_133, %dma_start3A_135] : memref<26x16384xi32, #tpu.memory_space<hbm>> -> memref<1x16384xi32, #tpu.memory_space<hbm>>
    %dma_start3A_137 = tpu.memref_squeeze %dma_start3A_136 : memref<1x16384xi32, #tpu.memory_space<hbm>> -> memref<16384xi32, #tpu.memory_space<hbm>>
    %dma_start3A_138 = tpu.memref_slice %dma_start3A_137[%mul3A_2] : memref<16384xi32, #tpu.memory_space<hbm>> -> memref<512xi32, #tpu.memory_space<hbm>>
    %dma_start3A_139 = tpu.memref_slice %arg5[%multiple_of3A_132] : memref<13312xi32, #tpu.memory_space<vmem>> -> memref<512xi32, #tpu.memory_space<vmem>>
    %dma_start3A_140 = arith.constant 0 : i32
    %dma_start3A_141 = tpu.memref_slice %arg2[%dma_start3A_133, %dma_start3A_140] : memref<26x16384xi32, #tpu.memory_space<hbm>> -> memref<1x16384xi32, #tpu.memory_space<hbm>>
    %dma_start3A_142 = tpu.memref_squeeze %dma_start3A_141 : memref<1x16384xi32, #tpu.memory_space<hbm>> -> memref<16384xi32, #tpu.memory_space<hbm>>
    %dma_start3A_143 = tpu.memref_slice %dma_start3A_142[%mul3A_2] : memref<16384xi32, #tpu.memory_space<hbm>> -> memref<512xi32, #tpu.memory_space<hbm>>
    tpu.enqueue_dma source(%dma_start3A_143 : memref<512xi32, #tpu.memory_space<hbm>>) target(%dma_start3A_139 : memref<512xi32, #tpu.memory_space<vmem>>) target_semaphore(%arg8 : memref<!tpu.dma_semaphore, #tpu.memory_space<semaphore_mem>>)
    %multiple_of3A_144 = arith.constant 5632 : i32
    %multiple_of3A_145 = tpu.assume_multiple %multiple_of3A_144, 512 : i32
    %dma_start3A_146 = arith.constant 11 : i32
    %dma_start3A_147 = tpu.memref_slice %arg5[%multiple_of3A_145] : memref<13312xi32, #tpu.memory_space<vmem>> -> memref<512xi32, #tpu.memory_space<vmem>>
    %dma_start3A_148 = arith.constant 0 : i32
    %dma_start3A_149 = tpu.memref_slice %arg2[%dma_start3A_146, %dma_start3A_148] : memref<26x16384xi32, #tpu.memory_space<hbm>> -> memref<1x16384xi32, #tpu.memory_space<hbm>>
    %dma_start3A_150 = tpu.memref_squeeze %dma_start3A_149 : memref<1x16384xi32, #tpu.memory_space<hbm>> -> memref<16384xi32, #tpu.memory_space<hbm>>
    %dma_start3A_151 = tpu.memref_slice %dma_start3A_150[%mul3A_2] : memref<16384xi32, #tpu.memory_space<hbm>> -> memref<512xi32, #tpu.memory_space<hbm>>
    %dma_start3A_152 = tpu.memref_slice %arg5[%multiple_of3A_145] : memref<13312xi32, #tpu.memory_space<vmem>> -> memref<512xi32, #tpu.memory_space<vmem>>
    %dma_start3A_153 = arith.constant 0 : i32
    %dma_start3A_154 = tpu.memref_slice %arg2[%dma_start3A_146, %dma_start3A_153] : memref<26x16384xi32, #tpu.memory_space<hbm>> -> memref<1x16384xi32, #tpu.memory_space<hbm>>
    %dma_start3A_155 = tpu.memref_squeeze %dma_start3A_154 : memref<1x16384xi32, #tpu.memory_space<hbm>> -> memref<16384xi32, #tpu.memory_space<hbm>>
    %dma_start3A_156 = tpu.memref_slice %dma_start3A_155[%mul3A_2] : memref<16384xi32, #tpu.memory_space<hbm>> -> memref<512xi32, #tpu.memory_space<hbm>>
    tpu.enqueue_dma source(%dma_start3A_156 : memref<512xi32, #tpu.memory_space<hbm>>) target(%dma_start3A_152 : memref<512xi32, #tpu.memory_space<vmem>>) target_semaphore(%arg8 : memref<!tpu.dma_semaphore, #tpu.memory_space<semaphore_mem>>)
    %multiple_of3A_157 = arith.constant 6144 : i32
    %multiple_of3A_158 = tpu.assume_multiple %multiple_of3A_157, 512 : i32
    %dma_start3A_159 = arith.constant 12 : i32
    %dma_start3A_160 = tpu.memref_slice %arg5[%multiple_of3A_158] : memref<13312xi32, #tpu.memory_space<vmem>> -> memref<512xi32, #tpu.memory_space<vmem>>
    %dma_start3A_161 = arith.constant 0 : i32
    %dma_start3A_162 = tpu.memref_slice %arg2[%dma_start3A_159, %dma_start3A_161] : memref<26x16384xi32, #tpu.memory_space<hbm>> -> memref<1x16384xi32, #tpu.memory_space<hbm>>
    %dma_start3A_163 = tpu.memref_squeeze %dma_start3A_162 : memref<1x16384xi32, #tpu.memory_space<hbm>> -> memref<16384xi32, #tpu.memory_space<hbm>>
    %dma_start3A_164 = tpu.memref_slice %dma_start3A_163[%mul3A_2] : memref<16384xi32, #tpu.memory_space<hbm>> -> memref<512xi32, #tpu.memory_space<hbm>>
    %dma_start3A_165 = tpu.memref_slice %arg5[%multiple_of3A_158] : memref<13312xi32, #tpu.memory_space<vmem>> -> memref<512xi32, #tpu.memory_space<vmem>>
    %dma_start3A_166 = arith.constant 0 : i32
    %dma_start3A_167 = tpu.memref_slice %arg2[%dma_start3A_159, %dma_start3A_166] : memref<26x16384xi32, #tpu.memory_space<hbm>> -> memref<1x16384xi32, #tpu.memory_space<hbm>>
    %dma_start3A_168 = tpu.memref_squeeze %dma_start3A_167 : memref<1x16384xi32, #tpu.memory_space<hbm>> -> memref<16384xi32, #tpu.memory_space<hbm>>
    %dma_start3A_169 = tpu.memref_slice %dma_start3A_168[%mul3A_2] : memref<16384xi32, #tpu.memory_space<hbm>> -> memref<512xi32, #tpu.memory_space<hbm>>
    tpu.enqueue_dma source(%dma_start3A_169 : memref<512xi32, #tpu.memory_space<hbm>>) target(%dma_start3A_165 : memref<512xi32, #tpu.memory_space<vmem>>) target_semaphore(%arg8 : memref<!tpu.dma_semaphore, #tpu.memory_space<semaphore_mem>>)
    %multiple_of3A_170 = arith.constant 6656 : i32
    %multiple_of3A_171 = tpu.assume_multiple %multiple_of3A_170, 512 : i32
    %dma_start3A_172 = arith.constant 13 : i32
    %dma_start3A_173 = tpu.memref_slice %arg5[%multiple_of3A_171] : memref<13312xi32, #tpu.memory_space<vmem>> -> memref<512xi32, #tpu.memory_space<vmem>>
    %dma_start3A_174 = arith.constant 0 : i32
    %dma_start3A_175 = tpu.memref_slice %arg2[%dma_start3A_172, %dma_start3A_174] : memref<26x16384xi32, #tpu.memory_space<hbm>> -> memref<1x16384xi32, #tpu.memory_space<hbm>>
    %dma_start3A_176 = tpu.memref_squeeze %dma_start3A_175 : memref<1x16384xi32, #tpu.memory_space<hbm>> -> memref<16384xi32, #tpu.memory_space<hbm>>
    %dma_start3A_177 = tpu.memref_slice %dma_start3A_176[%mul3A_2] : memref<16384xi32, #tpu.memory_space<hbm>> -> memref<512xi32, #tpu.memory_space<hbm>>
    %dma_start3A_178 = tpu.memref_slice %arg5[%multiple_of3A_171] : memref<13312xi32, #tpu.memory_space<vmem>> -> memref<512xi32, #tpu.memory_space<vmem>>
    %dma_start3A_179 = arith.constant 0 : i32
    %dma_start3A_180 = tpu.memref_slice %arg2[%dma_start3A_172, %dma_start3A_179] : memref<26x16384xi32, #tpu.memory_space<hbm>> -> memref<1x16384xi32, #tpu.memory_space<hbm>>
    %dma_start3A_181 = tpu.memref_squeeze %dma_start3A_180 : memref<1x16384xi32, #tpu.memory_space<hbm>> -> memref<16384xi32, #tpu.memory_space<hbm>>
    %dma_start3A_182 = tpu.memref_slice %dma_start3A_181[%mul3A_2] : memref<16384xi32, #tpu.memory_space<hbm>> -> memref<512xi32, #tpu.memory_space<hbm>>
    tpu.enqueue_dma source(%dma_start3A_182 : memref<512xi32, #tpu.memory_space<hbm>>) target(%dma_start3A_178 : memref<512xi32, #tpu.memory_space<vmem>>) target_semaphore(%arg8 : memref<!tpu.dma_semaphore, #tpu.memory_space<semaphore_mem>>)
    %multiple_of3A_183 = arith.constant 7168 : i32
    %multiple_of3A_184 = tpu.assume_multiple %multiple_of3A_183, 512 : i32
    %dma_start3A_185 = arith.constant 14 : i32
    %dma_start3A_186 = tpu.memref_slice %arg5[%multiple_of3A_184] : memref<13312xi32, #tpu.memory_space<vmem>> -> memref<512xi32, #tpu.memory_space<vmem>>
    %dma_start3A_187 = arith.constant 0 : i32
    %dma_start3A_188 = tpu.memref_slice %arg2[%dma_start3A_185, %dma_start3A_187] : memref<26x16384xi32, #tpu.memory_space<hbm>> -> memref<1x16384xi32, #tpu.memory_space<hbm>>
    %dma_start3A_189 = tpu.memref_squeeze %dma_start3A_188 : memref<1x16384xi32, #tpu.memory_space<hbm>> -> memref<16384xi32, #tpu.memory_space<hbm>>
    %dma_start3A_190 = tpu.memref_slice %dma_start3A_189[%mul3A_2] : memref<16384xi32, #tpu.memory_space<hbm>> -> memref<512xi32, #tpu.memory_space<hbm>>
    %dma_start3A_191 = tpu.memref_slice %arg5[%multiple_of3A_184] : memref<13312xi32, #tpu.memory_space<vmem>> -> memref<512xi32, #tpu.memory_space<vmem>>
    %dma_start3A_192 = arith.constant 0 : i32
    %dma_start3A_193 = tpu.memref_slice %arg2[%dma_start3A_185, %dma_start3A_192] : memref<26x16384xi32, #tpu.memory_space<hbm>> -> memref<1x16384xi32, #tpu.memory_space<hbm>>
    %dma_start3A_194 = tpu.memref_squeeze %dma_start3A_193 : memref<1x16384xi32, #tpu.memory_space<hbm>> -> memref<16384xi32, #tpu.memory_space<hbm>>
    %dma_start3A_195 = tpu.memref_slice %dma_start3A_194[%mul3A_2] : memref<16384xi32, #tpu.memory_space<hbm>> -> memref<512xi32, #tpu.memory_space<hbm>>
    tpu.enqueue_dma source(%dma_start3A_195 : memref<512xi32, #tpu.memory_space<hbm>>) target(%dma_start3A_191 : memref<512xi32, #tpu.memory_space<vmem>>) target_semaphore(%arg8 : memref<!tpu.dma_semaphore, #tpu.memory_space<semaphore_mem>>)
    %multiple_of3A_196 = arith.constant 7680 : i32
    %multiple_of3A_197 = tpu.assume_multiple %multiple_of3A_196, 512 : i32
    %dma_start3A_198 = arith.constant 15 : i32
    %dma_start3A_199 = tpu.memref_slice %arg5[%multiple_of3A_197] : memref<13312xi32, #tpu.memory_space<vmem>> -> memref<512xi32, #tpu.memory_space<vmem>>
    %dma_start3A_200 = arith.constant 0 : i32
    %dma_start3A_201 = tpu.memref_slice %arg2[%dma_start3A_198, %dma_start3A_200] : memref<26x16384xi32, #tpu.memory_space<hbm>> -> memref<1x16384xi32, #tpu.memory_space<hbm>>
    %dma_start3A_202 = tpu.memref_squeeze %dma_start3A_201 : memref<1x16384xi32, #tpu.memory_space<hbm>> -> memref<16384xi32, #tpu.memory_space<hbm>>
    %dma_start3A_203 = tpu.memref_slice %dma_start3A_202[%mul3A_2] : memref<16384xi32, #tpu.memory_space<hbm>> -> memref<512xi32, #tpu.memory_space<hbm>>
    %dma_start3A_204 = tpu.memref_slice %arg5[%multiple_of3A_197] : memref<13312xi32, #tpu.memory_space<vmem>> -> memref<512xi32, #tpu.memory_space<vmem>>
    %dma_start3A_205 = arith.constant 0 : i32
    %dma_start3A_206 = tpu.memref_slice %arg2[%dma_start3A_198, %dma_start3A_205] : memref<26x16384xi32, #tpu.memory_space<hbm>> -> memref<1x16384xi32, #tpu.memory_space<hbm>>
    %dma_start3A_207 = tpu.memref_squeeze %dma_start3A_206 : memref<1x16384xi32, #tpu.memory_space<hbm>> -> memref<16384xi32, #tpu.memory_space<hbm>>
    %dma_start3A_208 = tpu.memref_slice %dma_start3A_207[%mul3A_2] : memref<16384xi32, #tpu.memory_space<hbm>> -> memref<512xi32, #tpu.memory_space<hbm>>
    tpu.enqueue_dma source(%dma_start3A_208 : memref<512xi32, #tpu.memory_space<hbm>>) target(%dma_start3A_204 : memref<512xi32, #tpu.memory_space<vmem>>) target_semaphore(%arg8 : memref<!tpu.dma_semaphore, #tpu.memory_space<semaphore_mem>>)
    %multiple_of3A_209 = arith.constant 8192 : i32
    %multiple_of3A_210 = tpu.assume_multiple %multiple_of3A_209, 512 : i32
    %dma_start3A_211 = arith.constant 16 : i32
    %dma_start3A_212 = tpu.memref_slice %arg5[%multiple_of3A_210] : memref<13312xi32, #tpu.memory_space<vmem>> -> memref<512xi32, #tpu.memory_space<vmem>>
    %dma_start3A_213 = arith.constant 0 : i32
    %dma_start3A_214 = tpu.memref_slice %arg2[%dma_start3A_211, %dma_start3A_213] : memref<26x16384xi32, #tpu.memory_space<hbm>> -> memref<1x16384xi32, #tpu.memory_space<hbm>>
    %dma_start3A_215 = tpu.memref_squeeze %dma_start3A_214 : memref<1x16384xi32, #tpu.memory_space<hbm>> -> memref<16384xi32, #tpu.memory_space<hbm>>
    %dma_start3A_216 = tpu.memref_slice %dma_start3A_215[%mul3A_2] : memref<16384xi32, #tpu.memory_space<hbm>> -> memref<512xi32, #tpu.memory_space<hbm>>
    %dma_start3A_217 = tpu.memref_slice %arg5[%multiple_of3A_210] : memref<13312xi32, #tpu.memory_space<vmem>> -> memref<512xi32, #tpu.memory_space<vmem>>
    %dma_start3A_218 = arith.constant 0 : i32
    %dma_start3A_219 = tpu.memref_slice %arg2[%dma_start3A_211, %dma_start3A_218] : memref<26x16384xi32, #tpu.memory_space<hbm>> -> memref<1x16384xi32, #tpu.memory_space<hbm>>
    %dma_start3A_220 = tpu.memref_squeeze %dma_start3A_219 : memref<1x16384xi32, #tpu.memory_space<hbm>> -> memref<16384xi32, #tpu.memory_space<hbm>>
    %dma_start3A_221 = tpu.memref_slice %dma_start3A_220[%mul3A_2] : memref<16384xi32, #tpu.memory_space<hbm>> -> memref<512xi32, #tpu.memory_space<hbm>>
    tpu.enqueue_dma source(%dma_start3A_221 : memref<512xi32, #tpu.memory_space<hbm>>) target(%dma_start3A_217 : memref<512xi32, #tpu.memory_space<vmem>>) target_semaphore(%arg8 : memref<!tpu.dma_semaphore, #tpu.memory_space<semaphore_mem>>)
    %multiple_of3A_222 = arith.constant 8704 : i32
    %multiple_of3A_223 = tpu.assume_multiple %multiple_of3A_222, 512 : i32
    %dma_start3A_224 = arith.constant 17 : i32
    %dma_start3A_225 = tpu.memref_slice %arg5[%multiple_of3A_223] : memref<13312xi32, #tpu.memory_space<vmem>> -> memref<512xi32, #tpu.memory_space<vmem>>
    %dma_start3A_226 = arith.constant 0 : i32
    %dma_start3A_227 = tpu.memref_slice %arg2[%dma_start3A_224, %dma_start3A_226] : memref<26x16384xi32, #tpu.memory_space<hbm>> -> memref<1x16384xi32, #tpu.memory_space<hbm>>
    %dma_start3A_228 = tpu.memref_squeeze %dma_start3A_227 : memref<1x16384xi32, #tpu.memory_space<hbm>> -> memref<16384xi32, #tpu.memory_space<hbm>>
    %dma_start3A_229 = tpu.memref_slice %dma_start3A_228[%mul3A_2] : memref<16384xi32, #tpu.memory_space<hbm>> -> memref<512xi32, #tpu.memory_space<hbm>>
    %dma_start3A_230 = tpu.memref_slice %arg5[%multiple_of3A_223] : memref<13312xi32, #tpu.memory_space<vmem>> -> memref<512xi32, #tpu.memory_space<vmem>>
    %dma_start3A_231 = arith.constant 0 : i32
    %dma_start3A_232 = tpu.memref_slice %arg2[%dma_start3A_224, %dma_start3A_231] : memref<26x16384xi32, #tpu.memory_space<hbm>> -> memref<1x16384xi32, #tpu.memory_space<hbm>>
    %dma_start3A_233 = tpu.memref_squeeze %dma_start3A_232 : memref<1x16384xi32, #tpu.memory_space<hbm>> -> memref<16384xi32, #tpu.memory_space<hbm>>
    %dma_start3A_234 = tpu.memref_slice %dma_start3A_233[%mul3A_2] : memref<16384xi32, #tpu.memory_space<hbm>> -> memref<512xi32, #tpu.memory_space<hbm>>
    tpu.enqueue_dma source(%dma_start3A_234 : memref<512xi32, #tpu.memory_space<hbm>>) target(%dma_start3A_230 : memref<512xi32, #tpu.memory_space<vmem>>) target_semaphore(%arg8 : memref<!tpu.dma_semaphore, #tpu.memory_space<semaphore_mem>>)
    %multiple_of3A_235 = arith.constant 9216 : i32
    %multiple_of3A_236 = tpu.assume_multiple %multiple_of3A_235, 512 : i32
    %dma_start3A_237 = arith.constant 18 : i32
    %dma_start3A_238 = tpu.memref_slice %arg5[%multiple_of3A_236] : memref<13312xi32, #tpu.memory_space<vmem>> -> memref<512xi32, #tpu.memory_space<vmem>>
    %dma_start3A_239 = arith.constant 0 : i32
    %dma_start3A_240 = tpu.memref_slice %arg2[%dma_start3A_237, %dma_start3A_239] : memref<26x16384xi32, #tpu.memory_space<hbm>> -> memref<1x16384xi32, #tpu.memory_space<hbm>>
    %dma_start3A_241 = tpu.memref_squeeze %dma_start3A_240 : memref<1x16384xi32, #tpu.memory_space<hbm>> -> memref<16384xi32, #tpu.memory_space<hbm>>
    %dma_start3A_242 = tpu.memref_slice %dma_start3A_241[%mul3A_2] : memref<16384xi32, #tpu.memory_space<hbm>> -> memref<512xi32, #tpu.memory_space<hbm>>
    %dma_start3A_243 = tpu.memref_slice %arg5[%multiple_of3A_236] : memref<13312xi32, #tpu.memory_space<vmem>> -> memref<512xi32, #tpu.memory_space<vmem>>
    %dma_start3A_244 = arith.constant 0 : i32
    %dma_start3A_245 = tpu.memref_slice %arg2[%dma_start3A_237, %dma_start3A_244] : memref<26x16384xi32, #tpu.memory_space<hbm>> -> memref<1x16384xi32, #tpu.memory_space<hbm>>
    %dma_start3A_246 = tpu.memref_squeeze %dma_start3A_245 : memref<1x16384xi32, #tpu.memory_space<hbm>> -> memref<16384xi32, #tpu.memory_space<hbm>>
    %dma_start3A_247 = tpu.memref_slice %dma_start3A_246[%mul3A_2] : memref<16384xi32, #tpu.memory_space<hbm>> -> memref<512xi32, #tpu.memory_space<hbm>>
    tpu.enqueue_dma source(%dma_start3A_247 : memref<512xi32, #tpu.memory_space<hbm>>) target(%dma_start3A_243 : memref<512xi32, #tpu.memory_space<vmem>>) target_semaphore(%arg8 : memref<!tpu.dma_semaphore, #tpu.memory_space<semaphore_mem>>)
    %multiple_of3A_248 = arith.constant 9728 : i32
    %multiple_of3A_249 = tpu.assume_multiple %multiple_of3A_248, 512 : i32
    %dma_start3A_250 = arith.constant 19 : i32
    %dma_start3A_251 = tpu.memref_slice %arg5[%multiple_of3A_249] : memref<13312xi32, #tpu.memory_space<vmem>> -> memref<512xi32, #tpu.memory_space<vmem>>
    %dma_start3A_252 = arith.constant 0 : i32
    %dma_start3A_253 = tpu.memref_slice %arg2[%dma_start3A_250, %dma_start3A_252] : memref<26x16384xi32, #tpu.memory_space<hbm>> -> memref<1x16384xi32, #tpu.memory_space<hbm>>
    %dma_start3A_254 = tpu.memref_squeeze %dma_start3A_253 : memref<1x16384xi32, #tpu.memory_space<hbm>> -> memref<16384xi32, #tpu.memory_space<hbm>>
    %dma_start3A_255 = tpu.memref_slice %dma_start3A_254[%mul3A_2] : memref<16384xi32, #tpu.memory_space<hbm>> -> memref<512xi32, #tpu.memory_space<hbm>>
    %dma_start3A_256 = tpu.memref_slice %arg5[%multiple_of3A_249] : memref<13312xi32, #tpu.memory_space<vmem>> -> memref<512xi32, #tpu.memory_space<vmem>>
    %dma_start3A_257 = arith.constant 0 : i32
    %dma_start3A_258 = tpu.memref_slice %arg2[%dma_start3A_250, %dma_start3A_257] : memref<26x16384xi32, #tpu.memory_space<hbm>> -> memref<1x16384xi32, #tpu.memory_space<hbm>>
    %dma_start3A_259 = tpu.memref_squeeze %dma_start3A_258 : memref<1x16384xi32, #tpu.memory_space<hbm>> -> memref<16384xi32, #tpu.memory_space<hbm>>
    %dma_start3A_260 = tpu.memref_slice %dma_start3A_259[%mul3A_2] : memref<16384xi32, #tpu.memory_space<hbm>> -> memref<512xi32, #tpu.memory_space<hbm>>
    tpu.enqueue_dma source(%dma_start3A_260 : memref<512xi32, #tpu.memory_space<hbm>>) target(%dma_start3A_256 : memref<512xi32, #tpu.memory_space<vmem>>) target_semaphore(%arg8 : memref<!tpu.dma_semaphore, #tpu.memory_space<semaphore_mem>>)
    %multiple_of3A_261 = arith.constant 10240 : i32
    %multiple_of3A_262 = tpu.assume_multiple %multiple_of3A_261, 512 : i32
    %dma_start3A_263 = arith.constant 20 : i32
    %dma_start3A_264 = tpu.memref_slice %arg5[%multiple_of3A_262] : memref<13312xi32, #tpu.memory_space<vmem>> -> memref<512xi32, #tpu.memory_space<vmem>>
    %dma_start3A_265 = arith.constant 0 : i32
    %dma_start3A_266 = tpu.memref_slice %arg2[%dma_start3A_263, %dma_start3A_265] : memref<26x16384xi32, #tpu.memory_space<hbm>> -> memref<1x16384xi32, #tpu.memory_space<hbm>>
    %dma_start3A_267 = tpu.memref_squeeze %dma_start3A_266 : memref<1x16384xi32, #tpu.memory_space<hbm>> -> memref<16384xi32, #tpu.memory_space<hbm>>
    %dma_start3A_268 = tpu.memref_slice %dma_start3A_267[%mul3A_2] : memref<16384xi32, #tpu.memory_space<hbm>> -> memref<512xi32, #tpu.memory_space<hbm>>
    %dma_start3A_269 = tpu.memref_slice %arg5[%multiple_of3A_262] : memref<13312xi32, #tpu.memory_space<vmem>> -> memref<512xi32, #tpu.memory_space<vmem>>
    %dma_start3A_270 = arith.constant 0 : i32
    %dma_start3A_271 = tpu.memref_slice %arg2[%dma_start3A_263, %dma_start3A_270] : memref<26x16384xi32, #tpu.memory_space<hbm>> -> memref<1x16384xi32, #tpu.memory_space<hbm>>
    %dma_start3A_272 = tpu.memref_squeeze %dma_start3A_271 : memref<1x16384xi32, #tpu.memory_space<hbm>> -> memref<16384xi32, #tpu.memory_space<hbm>>
    %dma_start3A_273 = tpu.memref_slice %dma_start3A_272[%mul3A_2] : memref<16384xi32, #tpu.memory_space<hbm>> -> memref<512xi32, #tpu.memory_space<hbm>>
    tpu.enqueue_dma source(%dma_start3A_273 : memref<512xi32, #tpu.memory_space<hbm>>) target(%dma_start3A_269 : memref<512xi32, #tpu.memory_space<vmem>>) target_semaphore(%arg8 : memref<!tpu.dma_semaphore, #tpu.memory_space<semaphore_mem>>)
    %multiple_of3A_274 = arith.constant 10752 : i32
    %multiple_of3A_275 = tpu.assume_multiple %multiple_of3A_274, 512 : i32
    %dma_start3A_276 = arith.constant 21 : i32
    %dma_start3A_277 = tpu.memref_slice %arg5[%multiple_of3A_275] : memref<13312xi32, #tpu.memory_space<vmem>> -> memref<512xi32, #tpu.memory_space<vmem>>
    %dma_start3A_278 = arith.constant 0 : i32
    %dma_start3A_279 = tpu.memref_slice %arg2[%dma_start3A_276, %dma_start3A_278] : memref<26x16384xi32, #tpu.memory_space<hbm>> -> memref<1x16384xi32, #tpu.memory_space<hbm>>
    %dma_start3A_280 = tpu.memref_squeeze %dma_start3A_279 : memref<1x16384xi32, #tpu.memory_space<hbm>> -> memref<16384xi32, #tpu.memory_space<hbm>>
    %dma_start3A_281 = tpu.memref_slice %dma_start3A_280[%mul3A_2] : memref<16384xi32, #tpu.memory_space<hbm>> -> memref<512xi32, #tpu.memory_space<hbm>>
    %dma_start3A_282 = tpu.memref_slice %arg5[%multiple_of3A_275] : memref<13312xi32, #tpu.memory_space<vmem>> -> memref<512xi32, #tpu.memory_space<vmem>>
    %dma_start3A_283 = arith.constant 0 : i32
    %dma_start3A_284 = tpu.memref_slice %arg2[%dma_start3A_276, %dma_start3A_283] : memref<26x16384xi32, #tpu.memory_space<hbm>> -> memref<1x16384xi32, #tpu.memory_space<hbm>>
    %dma_start3A_285 = tpu.memref_squeeze %dma_start3A_284 : memref<1x16384xi32, #tpu.memory_space<hbm>> -> memref<16384xi32, #tpu.memory_space<hbm>>
    %dma_start3A_286 = tpu.memref_slice %dma_start3A_285[%mul3A_2] : memref<16384xi32, #tpu.memory_space<hbm>> -> memref<512xi32, #tpu.memory_space<hbm>>
    tpu.enqueue_dma source(%dma_start3A_286 : memref<512xi32, #tpu.memory_space<hbm>>) target(%dma_start3A_282 : memref<512xi32, #tpu.memory_space<vmem>>) target_semaphore(%arg8 : memref<!tpu.dma_semaphore, #tpu.memory_space<semaphore_mem>>)
    %multiple_of3A_287 = arith.constant 11264 : i32
    %multiple_of3A_288 = tpu.assume_multiple %multiple_of3A_287, 512 : i32
    %dma_start3A_289 = arith.constant 22 : i32
    %dma_start3A_290 = tpu.memref_slice %arg5[%multiple_of3A_288] : memref<13312xi32, #tpu.memory_space<vmem>> -> memref<512xi32, #tpu.memory_space<vmem>>
    %dma_start3A_291 = arith.constant 0 : i32
    %dma_start3A_292 = tpu.memref_slice %arg2[%dma_start3A_289, %dma_start3A_291] : memref<26x16384xi32, #tpu.memory_space<hbm>> -> memref<1x16384xi32, #tpu.memory_space<hbm>>
    %dma_start3A_293 = tpu.memref_squeeze %dma_start3A_292 : memref<1x16384xi32, #tpu.memory_space<hbm>> -> memref<16384xi32, #tpu.memory_space<hbm>>
    %dma_start3A_294 = tpu.memref_slice %dma_start3A_293[%mul3A_2] : memref<16384xi32, #tpu.memory_space<hbm>> -> memref<512xi32, #tpu.memory_space<hbm>>
    %dma_start3A_295 = tpu.memref_slice %arg5[%multiple_of3A_288] : memref<13312xi32, #tpu.memory_space<vmem>> -> memref<512xi32, #tpu.memory_space<vmem>>
    %dma_start3A_296 = arith.constant 0 : i32
    %dma_start3A_297 = tpu.memref_slice %arg2[%dma_start3A_289, %dma_start3A_296] : memref<26x16384xi32, #tpu.memory_space<hbm>> -> memref<1x16384xi32, #tpu.memory_space<hbm>>
    %dma_start3A_298 = tpu.memref_squeeze %dma_start3A_297 : memref<1x16384xi32, #tpu.memory_space<hbm>> -> memref<16384xi32, #tpu.memory_space<hbm>>
    %dma_start3A_299 = tpu.memref_slice %dma_start3A_298[%mul3A_2] : memref<16384xi32, #tpu.memory_space<hbm>> -> memref<512xi32, #tpu.memory_space<hbm>>
    tpu.enqueue_dma source(%dma_start3A_299 : memref<512xi32, #tpu.memory_space<hbm>>) target(%dma_start3A_295 : memref<512xi32, #tpu.memory_space<vmem>>) target_semaphore(%arg8 : memref<!tpu.dma_semaphore, #tpu.memory_space<semaphore_mem>>)
    %multiple_of3A_300 = arith.constant 11776 : i32
    %multiple_of3A_301 = tpu.assume_multiple %multiple_of3A_300, 512 : i32
    %dma_start3A_302 = arith.constant 23 : i32
    %dma_start3A_303 = tpu.memref_slice %arg5[%multiple_of3A_301] : memref<13312xi32, #tpu.memory_space<vmem>> -> memref<512xi32, #tpu.memory_space<vmem>>
    %dma_start3A_304 = arith.constant 0 : i32
    %dma_start3A_305 = tpu.memref_slice %arg2[%dma_start3A_302, %dma_start3A_304] : memref<26x16384xi32, #tpu.memory_space<hbm>> -> memref<1x16384xi32, #tpu.memory_space<hbm>>
    %dma_start3A_306 = tpu.memref_squeeze %dma_start3A_305 : memref<1x16384xi32, #tpu.memory_space<hbm>> -> memref<16384xi32, #tpu.memory_space<hbm>>
    %dma_start3A_307 = tpu.memref_slice %dma_start3A_306[%mul3A_2] : memref<16384xi32, #tpu.memory_space<hbm>> -> memref<512xi32, #tpu.memory_space<hbm>>
    %dma_start3A_308 = tpu.memref_slice %arg5[%multiple_of3A_301] : memref<13312xi32, #tpu.memory_space<vmem>> -> memref<512xi32, #tpu.memory_space<vmem>>
    %dma_start3A_309 = arith.constant 0 : i32
    %dma_start3A_310 = tpu.memref_slice %arg2[%dma_start3A_302, %dma_start3A_309] : memref<26x16384xi32, #tpu.memory_space<hbm>> -> memref<1x16384xi32, #tpu.memory_space<hbm>>
    %dma_start3A_311 = tpu.memref_squeeze %dma_start3A_310 : memref<1x16384xi32, #tpu.memory_space<hbm>> -> memref<16384xi32, #tpu.memory_space<hbm>>
    %dma_start3A_312 = tpu.memref_slice %dma_start3A_311[%mul3A_2] : memref<16384xi32, #tpu.memory_space<hbm>> -> memref<512xi32, #tpu.memory_space<hbm>>
    tpu.enqueue_dma source(%dma_start3A_312 : memref<512xi32, #tpu.memory_space<hbm>>) target(%dma_start3A_308 : memref<512xi32, #tpu.memory_space<vmem>>) target_semaphore(%arg8 : memref<!tpu.dma_semaphore, #tpu.memory_space<semaphore_mem>>)
    %multiple_of3A_313 = arith.constant 12288 : i32
    %multiple_of3A_314 = tpu.assume_multiple %multiple_of3A_313, 512 : i32
    %dma_start3A_315 = arith.constant 24 : i32
    %dma_start3A_316 = tpu.memref_slice %arg5[%multiple_of3A_314] : memref<13312xi32, #tpu.memory_space<vmem>> -> memref<512xi32, #tpu.memory_space<vmem>>
    %dma_start3A_317 = arith.constant 0 : i32
    %dma_start3A_318 = tpu.memref_slice %arg2[%dma_start3A_315, %dma_start3A_317] : memref<26x16384xi32, #tpu.memory_space<hbm>> -> memref<1x16384xi32, #tpu.memory_space<hbm>>
    %dma_start3A_319 = tpu.memref_squeeze %dma_start3A_318 : memref<1x16384xi32, #tpu.memory_space<hbm>> -> memref<16384xi32, #tpu.memory_space<hbm>>
    %dma_start3A_320 = tpu.memref_slice %dma_start3A_319[%mul3A_2] : memref<16384xi32, #tpu.memory_space<hbm>> -> memref<512xi32, #tpu.memory_space<hbm>>
    %dma_start3A_321 = tpu.memref_slice %arg5[%multiple_of3A_314] : memref<13312xi32, #tpu.memory_space<vmem>> -> memref<512xi32, #tpu.memory_space<vmem>>
    %dma_start3A_322 = arith.constant 0 : i32
    %dma_start3A_323 = tpu.memref_slice %arg2[%dma_start3A_315, %dma_start3A_322] : memref<26x16384xi32, #tpu.memory_space<hbm>> -> memref<1x16384xi32, #tpu.memory_space<hbm>>
    %dma_start3A_324 = tpu.memref_squeeze %dma_start3A_323 : memref<1x16384xi32, #tpu.memory_space<hbm>> -> memref<16384xi32, #tpu.memory_space<hbm>>
    %dma_start3A_325 = tpu.memref_slice %dma_start3A_324[%mul3A_2] : memref<16384xi32, #tpu.memory_space<hbm>> -> memref<512xi32, #tpu.memory_space<hbm>>
    tpu.enqueue_dma source(%dma_start3A_325 : memref<512xi32, #tpu.memory_space<hbm>>) target(%dma_start3A_321 : memref<512xi32, #tpu.memory_space<vmem>>) target_semaphore(%arg8 : memref<!tpu.dma_semaphore, #tpu.memory_space<semaphore_mem>>)
    %multiple_of3A_326 = arith.constant 12800 : i32
    %multiple_of3A_327 = tpu.assume_multiple %multiple_of3A_326, 512 : i32
    %dma_start3A_328 = arith.constant 25 : i32
    %dma_start3A_329 = tpu.memref_slice %arg5[%multiple_of3A_327] : memref<13312xi32, #tpu.memory_space<vmem>> -> memref<512xi32, #tpu.memory_space<vmem>>
    %dma_start3A_330 = arith.constant 0 : i32
    %dma_start3A_331 = tpu.memref_slice %arg2[%dma_start3A_328, %dma_start3A_330] : memref<26x16384xi32, #tpu.memory_space<hbm>> -> memref<1x16384xi32, #tpu.memory_space<hbm>>
    %dma_start3A_332 = tpu.memref_squeeze %dma_start3A_331 : memref<1x16384xi32, #tpu.memory_space<hbm>> -> memref<16384xi32, #tpu.memory_space<hbm>>
    %dma_start3A_333 = tpu.memref_slice %dma_start3A_332[%mul3A_2] : memref<16384xi32, #tpu.memory_space<hbm>> -> memref<512xi32, #tpu.memory_space<hbm>>
    %dma_start3A_334 = tpu.memref_slice %arg5[%multiple_of3A_327] : memref<13312xi32, #tpu.memory_space<vmem>> -> memref<512xi32, #tpu.memory_space<vmem>>
    %dma_start3A_335 = arith.constant 0 : i32
    %dma_start3A_336 = tpu.memref_slice %arg2[%dma_start3A_328, %dma_start3A_335] : memref<26x16384xi32, #tpu.memory_space<hbm>> -> memref<1x16384xi32, #tpu.memory_space<hbm>>
    %dma_start3A_337 = tpu.memref_squeeze %dma_start3A_336 : memref<1x16384xi32, #tpu.memory_space<hbm>> -> memref<16384xi32, #tpu.memory_space<hbm>>
    %dma_start3A_338 = tpu.memref_slice %dma_start3A_337[%mul3A_2] : memref<16384xi32, #tpu.memory_space<hbm>> -> memref<512xi32, #tpu.memory_space<hbm>>
    tpu.enqueue_dma source(%dma_start3A_338 : memref<512xi32, #tpu.memory_space<hbm>>) target(%dma_start3A_334 : memref<512xi32, #tpu.memory_space<vmem>>) target_semaphore(%arg8 : memref<!tpu.dma_semaphore, #tpu.memory_space<semaphore_mem>>)
    %multiple_of3A_339 = arith.constant 0 : i32
    %multiple_of3A_340 = tpu.assume_multiple %multiple_of3A_339, 512 : i32
    %dma_wait3A = arith.constant 0 : i32
    %dma_wait3A_341 = tpu.memref_slice %arg5[%multiple_of3A_340] : memref<13312xi32, #tpu.memory_space<vmem>> -> memref<512xi32, #tpu.memory_space<vmem>>
    %dma_wait3A_342 = arith.constant 0 : i32
    %dma_wait3A_343 = tpu.memref_slice %arg2[%dma_wait3A, %dma_wait3A_342] : memref<26x16384xi32, #tpu.memory_space<hbm>> -> memref<1x16384xi32, #tpu.memory_space<hbm>>
    %dma_wait3A_344 = tpu.memref_squeeze %dma_wait3A_343 : memref<1x16384xi32, #tpu.memory_space<hbm>> -> memref<16384xi32, #tpu.memory_space<hbm>>
    %dma_wait3A_345 = tpu.memref_slice %dma_wait3A_344[%mul3A_2] : memref<16384xi32, #tpu.memory_space<hbm>> -> memref<512xi32, #tpu.memory_space<hbm>>
    %dma_wait3A_346 = tpu.memref_slice %arg5[%multiple_of3A_340] : memref<13312xi32, #tpu.memory_space<vmem>> -> memref<512xi32, #tpu.memory_space<vmem>>
    %dma_wait3A_347 = arith.constant 0 : i32
    %dma_wait3A_348 = tpu.memref_slice %arg2[%dma_wait3A, %dma_wait3A_347] : memref<26x16384xi32, #tpu.memory_space<hbm>> -> memref<1x16384xi32, #tpu.memory_space<hbm>>
    %dma_wait3A_349 = tpu.memref_squeeze %dma_wait3A_348 : memref<1x16384xi32, #tpu.memory_space<hbm>> -> memref<16384xi32, #tpu.memory_space<hbm>>
    %dma_wait3A_350 = tpu.memref_slice %dma_wait3A_349[%mul3A_2] : memref<16384xi32, #tpu.memory_space<hbm>> -> memref<512xi32, #tpu.memory_space<hbm>>
    tpu.wait_dma2 semaphore(%arg8 : memref<!tpu.dma_semaphore, #tpu.memory_space<semaphore_mem>>) src(%dma_wait3A_350 : memref<512xi32, #tpu.memory_space<hbm>>) dst(%dma_wait3A_346 : memref<512xi32, #tpu.memory_space<vmem>>)
    %multiple_of3A_351 = arith.constant 512 : i32
    %multiple_of3A_352 = tpu.assume_multiple %multiple_of3A_351, 512 : i32
    %dma_wait3A_353 = arith.constant 1 : i32
    %dma_wait3A_354 = tpu.memref_slice %arg5[%multiple_of3A_352] : memref<13312xi32, #tpu.memory_space<vmem>> -> memref<512xi32, #tpu.memory_space<vmem>>
    %dma_wait3A_355 = arith.constant 0 : i32
    %dma_wait3A_356 = tpu.memref_slice %arg2[%dma_wait3A_353, %dma_wait3A_355] : memref<26x16384xi32, #tpu.memory_space<hbm>> -> memref<1x16384xi32, #tpu.memory_space<hbm>>
    %dma_wait3A_357 = tpu.memref_squeeze %dma_wait3A_356 : memref<1x16384xi32, #tpu.memory_space<hbm>> -> memref<16384xi32, #tpu.memory_space<hbm>>
    %dma_wait3A_358 = tpu.memref_slice %dma_wait3A_357[%mul3A_2] : memref<16384xi32, #tpu.memory_space<hbm>> -> memref<512xi32, #tpu.memory_space<hbm>>
    %dma_wait3A_359 = tpu.memref_slice %arg5[%multiple_of3A_352] : memref<13312xi32, #tpu.memory_space<vmem>> -> memref<512xi32, #tpu.memory_space<vmem>>
    %dma_wait3A_360 = arith.constant 0 : i32
    %dma_wait3A_361 = tpu.memref_slice %arg2[%dma_wait3A_353, %dma_wait3A_360] : memref<26x16384xi32, #tpu.memory_space<hbm>> -> memref<1x16384xi32, #tpu.memory_space<hbm>>
    %dma_wait3A_362 = tpu.memref_squeeze %dma_wait3A_361 : memref<1x16384xi32, #tpu.memory_space<hbm>> -> memref<16384xi32, #tpu.memory_space<hbm>>
    %dma_wait3A_363 = tpu.memref_slice %dma_wait3A_362[%mul3A_2] : memref<16384xi32, #tpu.memory_space<hbm>> -> memref<512xi32, #tpu.memory_space<hbm>>
    tpu.wait_dma2 semaphore(%arg8 : memref<!tpu.dma_semaphore, #tpu.memory_space<semaphore_mem>>) src(%dma_wait3A_363 : memref<512xi32, #tpu.memory_space<hbm>>) dst(%dma_wait3A_359 : memref<512xi32, #tpu.memory_space<vmem>>)
    %multiple_of3A_364 = arith.constant 1024 : i32
    %multiple_of3A_365 = tpu.assume_multiple %multiple_of3A_364, 512 : i32
    %dma_wait3A_366 = arith.constant 2 : i32
    %dma_wait3A_367 = tpu.memref_slice %arg5[%multiple_of3A_365] : memref<13312xi32, #tpu.memory_space<vmem>> -> memref<512xi32, #tpu.memory_space<vmem>>
    %dma_wait3A_368 = arith.constant 0 : i32
    %dma_wait3A_369 = tpu.memref_slice %arg2[%dma_wait3A_366, %dma_wait3A_368] : memref<26x16384xi32, #tpu.memory_space<hbm>> -> memref<1x16384xi32, #tpu.memory_space<hbm>>
    %dma_wait3A_370 = tpu.memref_squeeze %dma_wait3A_369 : memref<1x16384xi32, #tpu.memory_space<hbm>> -> memref<16384xi32, #tpu.memory_space<hbm>>
    %dma_wait3A_371 = tpu.memref_slice %dma_wait3A_370[%mul3A_2] : memref<16384xi32, #tpu.memory_space<hbm>> -> memref<512xi32, #tpu.memory_space<hbm>>
    %dma_wait3A_372 = tpu.memref_slice %arg5[%multiple_of3A_365] : memref<13312xi32, #tpu.memory_space<vmem>> -> memref<512xi32, #tpu.memory_space<vmem>>
    %dma_wait3A_373 = arith.constant 0 : i32
    %dma_wait3A_374 = tpu.memref_slice %arg2[%dma_wait3A_366, %dma_wait3A_373] : memref<26x16384xi32, #tpu.memory_space<hbm>> -> memref<1x16384xi32, #tpu.memory_space<hbm>>
    %dma_wait3A_375 = tpu.memref_squeeze %dma_wait3A_374 : memref<1x16384xi32, #tpu.memory_space<hbm>> -> memref<16384xi32, #tpu.memory_space<hbm>>
    %dma_wait3A_376 = tpu.memref_slice %dma_wait3A_375[%mul3A_2] : memref<16384xi32, #tpu.memory_space<hbm>> -> memref<512xi32, #tpu.memory_space<hbm>>
    tpu.wait_dma2 semaphore(%arg8 : memref<!tpu.dma_semaphore, #tpu.memory_space<semaphore_mem>>) src(%dma_wait3A_376 : memref<512xi32, #tpu.memory_space<hbm>>) dst(%dma_wait3A_372 : memref<512xi32, #tpu.memory_space<vmem>>)
    %multiple_of3A_377 = arith.constant 1536 : i32
    %multiple_of3A_378 = tpu.assume_multiple %multiple_of3A_377, 512 : i32
    %dma_wait3A_379 = arith.constant 3 : i32
    %dma_wait3A_380 = tpu.memref_slice %arg5[%multiple_of3A_378] : memref<13312xi32, #tpu.memory_space<vmem>> -> memref<512xi32, #tpu.memory_space<vmem>>
    %dma_wait3A_381 = arith.constant 0 : i32
    %dma_wait3A_382 = tpu.memref_slice %arg2[%dma_wait3A_379, %dma_wait3A_381] : memref<26x16384xi32, #tpu.memory_space<hbm>> -> memref<1x16384xi32, #tpu.memory_space<hbm>>
    %dma_wait3A_383 = tpu.memref_squeeze %dma_wait3A_382 : memref<1x16384xi32, #tpu.memory_space<hbm>> -> memref<16384xi32, #tpu.memory_space<hbm>>
    %dma_wait3A_384 = tpu.memref_slice %dma_wait3A_383[%mul3A_2] : memref<16384xi32, #tpu.memory_space<hbm>> -> memref<512xi32, #tpu.memory_space<hbm>>
    %dma_wait3A_385 = tpu.memref_slice %arg5[%multiple_of3A_378] : memref<13312xi32, #tpu.memory_space<vmem>> -> memref<512xi32, #tpu.memory_space<vmem>>
    %dma_wait3A_386 = arith.constant 0 : i32
    %dma_wait3A_387 = tpu.memref_slice %arg2[%dma_wait3A_379, %dma_wait3A_386] : memref<26x16384xi32, #tpu.memory_space<hbm>> -> memref<1x16384xi32, #tpu.memory_space<hbm>>
    %dma_wait3A_388 = tpu.memref_squeeze %dma_wait3A_387 : memref<1x16384xi32, #tpu.memory_space<hbm>> -> memref<16384xi32, #tpu.memory_space<hbm>>
    %dma_wait3A_389 = tpu.memref_slice %dma_wait3A_388[%mul3A_2] : memref<16384xi32, #tpu.memory_space<hbm>> -> memref<512xi32, #tpu.memory_space<hbm>>
    tpu.wait_dma2 semaphore(%arg8 : memref<!tpu.dma_semaphore, #tpu.memory_space<semaphore_mem>>) src(%dma_wait3A_389 : memref<512xi32, #tpu.memory_space<hbm>>) dst(%dma_wait3A_385 : memref<512xi32, #tpu.memory_space<vmem>>)
    %multiple_of3A_390 = arith.constant 2048 : i32
    %multiple_of3A_391 = tpu.assume_multiple %multiple_of3A_390, 512 : i32
    %dma_wait3A_392 = arith.constant 4 : i32
    %dma_wait3A_393 = tpu.memref_slice %arg5[%multiple_of3A_391] : memref<13312xi32, #tpu.memory_space<vmem>> -> memref<512xi32, #tpu.memory_space<vmem>>
    %dma_wait3A_394 = arith.constant 0 : i32
    %dma_wait3A_395 = tpu.memref_slice %arg2[%dma_wait3A_392, %dma_wait3A_394] : memref<26x16384xi32, #tpu.memory_space<hbm>> -> memref<1x16384xi32, #tpu.memory_space<hbm>>
    %dma_wait3A_396 = tpu.memref_squeeze %dma_wait3A_395 : memref<1x16384xi32, #tpu.memory_space<hbm>> -> memref<16384xi32, #tpu.memory_space<hbm>>
    %dma_wait3A_397 = tpu.memref_slice %dma_wait3A_396[%mul3A_2] : memref<16384xi32, #tpu.memory_space<hbm>> -> memref<512xi32, #tpu.memory_space<hbm>>
    %dma_wait3A_398 = tpu.memref_slice %arg5[%multiple_of3A_391] : memref<13312xi32, #tpu.memory_space<vmem>> -> memref<512xi32, #tpu.memory_space<vmem>>
    %dma_wait3A_399 = arith.constant 0 : i32
    %dma_wait3A_400 = tpu.memref_slice %arg2[%dma_wait3A_392, %dma_wait3A_399] : memref<26x16384xi32, #tpu.memory_space<hbm>> -> memref<1x16384xi32, #tpu.memory_space<hbm>>
    %dma_wait3A_401 = tpu.memref_squeeze %dma_wait3A_400 : memref<1x16384xi32, #tpu.memory_space<hbm>> -> memref<16384xi32, #tpu.memory_space<hbm>>
    %dma_wait3A_402 = tpu.memref_slice %dma_wait3A_401[%mul3A_2] : memref<16384xi32, #tpu.memory_space<hbm>> -> memref<512xi32, #tpu.memory_space<hbm>>
    tpu.wait_dma2 semaphore(%arg8 : memref<!tpu.dma_semaphore, #tpu.memory_space<semaphore_mem>>) src(%dma_wait3A_402 : memref<512xi32, #tpu.memory_space<hbm>>) dst(%dma_wait3A_398 : memref<512xi32, #tpu.memory_space<vmem>>)
    %multiple_of3A_403 = arith.constant 2560 : i32
    %multiple_of3A_404 = tpu.assume_multiple %multiple_of3A_403, 512 : i32
    %dma_wait3A_405 = arith.constant 5 : i32
    %dma_wait3A_406 = tpu.memref_slice %arg5[%multiple_of3A_404] : memref<13312xi32, #tpu.memory_space<vmem>> -> memref<512xi32, #tpu.memory_space<vmem>>
    %dma_wait3A_407 = arith.constant 0 : i32
    %dma_wait3A_408 = tpu.memref_slice %arg2[%dma_wait3A_405, %dma_wait3A_407] : memref<26x16384xi32, #tpu.memory_space<hbm>> -> memref<1x16384xi32, #tpu.memory_space<hbm>>
    %dma_wait3A_409 = tpu.memref_squeeze %dma_wait3A_408 : memref<1x16384xi32, #tpu.memory_space<hbm>> -> memref<16384xi32, #tpu.memory_space<hbm>>
    %dma_wait3A_410 = tpu.memref_slice %dma_wait3A_409[%mul3A_2] : memref<16384xi32, #tpu.memory_space<hbm>> -> memref<512xi32, #tpu.memory_space<hbm>>
    %dma_wait3A_411 = tpu.memref_slice %arg5[%multiple_of3A_404] : memref<13312xi32, #tpu.memory_space<vmem>> -> memref<512xi32, #tpu.memory_space<vmem>>
    %dma_wait3A_412 = arith.constant 0 : i32
    %dma_wait3A_413 = tpu.memref_slice %arg2[%dma_wait3A_405, %dma_wait3A_412] : memref<26x16384xi32, #tpu.memory_space<hbm>> -> memref<1x16384xi32, #tpu.memory_space<hbm>>
    %dma_wait3A_414 = tpu.memref_squeeze %dma_wait3A_413 : memref<1x16384xi32, #tpu.memory_space<hbm>> -> memref<16384xi32, #tpu.memory_space<hbm>>
    %dma_wait3A_415 = tpu.memref_slice %dma_wait3A_414[%mul3A_2] : memref<16384xi32, #tpu.memory_space<hbm>> -> memref<512xi32, #tpu.memory_space<hbm>>
    tpu.wait_dma2 semaphore(%arg8 : memref<!tpu.dma_semaphore, #tpu.memory_space<semaphore_mem>>) src(%dma_wait3A_415 : memref<512xi32, #tpu.memory_space<hbm>>) dst(%dma_wait3A_411 : memref<512xi32, #tpu.memory_space<vmem>>)
    %multiple_of3A_416 = arith.constant 3072 : i32
    %multiple_of3A_417 = tpu.assume_multiple %multiple_of3A_416, 512 : i32
    %dma_wait3A_418 = arith.constant 6 : i32
    %dma_wait3A_419 = tpu.memref_slice %arg5[%multiple_of3A_417] : memref<13312xi32, #tpu.memory_space<vmem>> -> memref<512xi32, #tpu.memory_space<vmem>>
    %dma_wait3A_420 = arith.constant 0 : i32
    %dma_wait3A_421 = tpu.memref_slice %arg2[%dma_wait3A_418, %dma_wait3A_420] : memref<26x16384xi32, #tpu.memory_space<hbm>> -> memref<1x16384xi32, #tpu.memory_space<hbm>>
    %dma_wait3A_422 = tpu.memref_squeeze %dma_wait3A_421 : memref<1x16384xi32, #tpu.memory_space<hbm>> -> memref<16384xi32, #tpu.memory_space<hbm>>
    %dma_wait3A_423 = tpu.memref_slice %dma_wait3A_422[%mul3A_2] : memref<16384xi32, #tpu.memory_space<hbm>> -> memref<512xi32, #tpu.memory_space<hbm>>
    %dma_wait3A_424 = tpu.memref_slice %arg5[%multiple_of3A_417] : memref<13312xi32, #tpu.memory_space<vmem>> -> memref<512xi32, #tpu.memory_space<vmem>>
    %dma_wait3A_425 = arith.constant 0 : i32
    %dma_wait3A_426 = tpu.memref_slice %arg2[%dma_wait3A_418, %dma_wait3A_425] : memref<26x16384xi32, #tpu.memory_space<hbm>> -> memref<1x16384xi32, #tpu.memory_space<hbm>>
    %dma_wait3A_427 = tpu.memref_squeeze %dma_wait3A_426 : memref<1x16384xi32, #tpu.memory_space<hbm>> -> memref<16384xi32, #tpu.memory_space<hbm>>
    %dma_wait3A_428 = tpu.memref_slice %dma_wait3A_427[%mul3A_2] : memref<16384xi32, #tpu.memory_space<hbm>> -> memref<512xi32, #tpu.memory_space<hbm>>
    tpu.wait_dma2 semaphore(%arg8 : memref<!tpu.dma_semaphore, #tpu.memory_space<semaphore_mem>>) src(%dma_wait3A_428 : memref<512xi32, #tpu.memory_space<hbm>>) dst(%dma_wait3A_424 : memref<512xi32, #tpu.memory_space<vmem>>)
    %multiple_of3A_429 = arith.constant 3584 : i32
    %multiple_of3A_430 = tpu.assume_multiple %multiple_of3A_429, 512 : i32
    %dma_wait3A_431 = arith.constant 7 : i32
    %dma_wait3A_432 = tpu.memref_slice %arg5[%multiple_of3A_430] : memref<13312xi32, #tpu.memory_space<vmem>> -> memref<512xi32, #tpu.memory_space<vmem>>
    %dma_wait3A_433 = arith.constant 0 : i32
    %dma_wait3A_434 = tpu.memref_slice %arg2[%dma_wait3A_431, %dma_wait3A_433] : memref<26x16384xi32, #tpu.memory_space<hbm>> -> memref<1x16384xi32, #tpu.memory_space<hbm>>
    %dma_wait3A_435 = tpu.memref_squeeze %dma_wait3A_434 : memref<1x16384xi32, #tpu.memory_space<hbm>> -> memref<16384xi32, #tpu.memory_space<hbm>>
    %dma_wait3A_436 = tpu.memref_slice %dma_wait3A_435[%mul3A_2] : memref<16384xi32, #tpu.memory_space<hbm>> -> memref<512xi32, #tpu.memory_space<hbm>>
    %dma_wait3A_437 = tpu.memref_slice %arg5[%multiple_of3A_430] : memref<13312xi32, #tpu.memory_space<vmem>> -> memref<512xi32, #tpu.memory_space<vmem>>
    %dma_wait3A_438 = arith.constant 0 : i32
    %dma_wait3A_439 = tpu.memref_slice %arg2[%dma_wait3A_431, %dma_wait3A_438] : memref<26x16384xi32, #tpu.memory_space<hbm>> -> memref<1x16384xi32, #tpu.memory_space<hbm>>
    %dma_wait3A_440 = tpu.memref_squeeze %dma_wait3A_439 : memref<1x16384xi32, #tpu.memory_space<hbm>> -> memref<16384xi32, #tpu.memory_space<hbm>>
    %dma_wait3A_441 = tpu.memref_slice %dma_wait3A_440[%mul3A_2] : memref<16384xi32, #tpu.memory_space<hbm>> -> memref<512xi32, #tpu.memory_space<hbm>>
    tpu.wait_dma2 semaphore(%arg8 : memref<!tpu.dma_semaphore, #tpu.memory_space<semaphore_mem>>) src(%dma_wait3A_441 : memref<512xi32, #tpu.memory_space<hbm>>) dst(%dma_wait3A_437 : memref<512xi32, #tpu.memory_space<vmem>>)
    %multiple_of3A_442 = arith.constant 4096 : i32
    %multiple_of3A_443 = tpu.assume_multiple %multiple_of3A_442, 512 : i32
    %dma_wait3A_444 = arith.constant 8 : i32
    %dma_wait3A_445 = tpu.memref_slice %arg5[%multiple_of3A_443] : memref<13312xi32, #tpu.memory_space<vmem>> -> memref<512xi32, #tpu.memory_space<vmem>>
    %dma_wait3A_446 = arith.constant 0 : i32
    %dma_wait3A_447 = tpu.memref_slice %arg2[%dma_wait3A_444, %dma_wait3A_446] : memref<26x16384xi32, #tpu.memory_space<hbm>> -> memref<1x16384xi32, #tpu.memory_space<hbm>>
    %dma_wait3A_448 = tpu.memref_squeeze %dma_wait3A_447 : memref<1x16384xi32, #tpu.memory_space<hbm>> -> memref<16384xi32, #tpu.memory_space<hbm>>
    %dma_wait3A_449 = tpu.memref_slice %dma_wait3A_448[%mul3A_2] : memref<16384xi32, #tpu.memory_space<hbm>> -> memref<512xi32, #tpu.memory_space<hbm>>
    %dma_wait3A_450 = tpu.memref_slice %arg5[%multiple_of3A_443] : memref<13312xi32, #tpu.memory_space<vmem>> -> memref<512xi32, #tpu.memory_space<vmem>>
    %dma_wait3A_451 = arith.constant 0 : i32
    %dma_wait3A_452 = tpu.memref_slice %arg2[%dma_wait3A_444, %dma_wait3A_451] : memref<26x16384xi32, #tpu.memory_space<hbm>> -> memref<1x16384xi32, #tpu.memory_space<hbm>>
    %dma_wait3A_453 = tpu.memref_squeeze %dma_wait3A_452 : memref<1x16384xi32, #tpu.memory_space<hbm>> -> memref<16384xi32, #tpu.memory_space<hbm>>
    %dma_wait3A_454 = tpu.memref_slice %dma_wait3A_453[%mul3A_2] : memref<16384xi32, #tpu.memory_space<hbm>> -> memref<512xi32, #tpu.memory_space<hbm>>
    tpu.wait_dma2 semaphore(%arg8 : memref<!tpu.dma_semaphore, #tpu.memory_space<semaphore_mem>>) src(%dma_wait3A_454 : memref<512xi32, #tpu.memory_space<hbm>>) dst(%dma_wait3A_450 : memref<512xi32, #tpu.memory_space<vmem>>)
    %multiple_of3A_455 = arith.constant 4608 : i32
    %multiple_of3A_456 = tpu.assume_multiple %multiple_of3A_455, 512 : i32
    %dma_wait3A_457 = arith.constant 9 : i32
    %dma_wait3A_458 = tpu.memref_slice %arg5[%multiple_of3A_456] : memref<13312xi32, #tpu.memory_space<vmem>> -> memref<512xi32, #tpu.memory_space<vmem>>
    %dma_wait3A_459 = arith.constant 0 : i32
    %dma_wait3A_460 = tpu.memref_slice %arg2[%dma_wait3A_457, %dma_wait3A_459] : memref<26x16384xi32, #tpu.memory_space<hbm>> -> memref<1x16384xi32, #tpu.memory_space<hbm>>
    %dma_wait3A_461 = tpu.memref_squeeze %dma_wait3A_460 : memref<1x16384xi32, #tpu.memory_space<hbm>> -> memref<16384xi32, #tpu.memory_space<hbm>>
    %dma_wait3A_462 = tpu.memref_slice %dma_wait3A_461[%mul3A_2] : memref<16384xi32, #tpu.memory_space<hbm>> -> memref<512xi32, #tpu.memory_space<hbm>>
    %dma_wait3A_463 = tpu.memref_slice %arg5[%multiple_of3A_456] : memref<13312xi32, #tpu.memory_space<vmem>> -> memref<512xi32, #tpu.memory_space<vmem>>
    %dma_wait3A_464 = arith.constant 0 : i32
    %dma_wait3A_465 = tpu.memref_slice %arg2[%dma_wait3A_457, %dma_wait3A_464] : memref<26x16384xi32, #tpu.memory_space<hbm>> -> memref<1x16384xi32, #tpu.memory_space<hbm>>
    %dma_wait3A_466 = tpu.memref_squeeze %dma_wait3A_465 : memref<1x16384xi32, #tpu.memory_space<hbm>> -> memref<16384xi32, #tpu.memory_space<hbm>>
    %dma_wait3A_467 = tpu.memref_slice %dma_wait3A_466[%mul3A_2] : memref<16384xi32, #tpu.memory_space<hbm>> -> memref<512xi32, #tpu.memory_space<hbm>>
    tpu.wait_dma2 semaphore(%arg8 : memref<!tpu.dma_semaphore, #tpu.memory_space<semaphore_mem>>) src(%dma_wait3A_467 : memref<512xi32, #tpu.memory_space<hbm>>) dst(%dma_wait3A_463 : memref<512xi32, #tpu.memory_space<vmem>>)
    %multiple_of3A_468 = arith.constant 5120 : i32
    %multiple_of3A_469 = tpu.assume_multiple %multiple_of3A_468, 512 : i32
    %dma_wait3A_470 = arith.constant 10 : i32
    %dma_wait3A_471 = tpu.memref_slice %arg5[%multiple_of3A_469] : memref<13312xi32, #tpu.memory_space<vmem>> -> memref<512xi32, #tpu.memory_space<vmem>>
    %dma_wait3A_472 = arith.constant 0 : i32
    %dma_wait3A_473 = tpu.memref_slice %arg2[%dma_wait3A_470, %dma_wait3A_472] : memref<26x16384xi32, #tpu.memory_space<hbm>> -> memref<1x16384xi32, #tpu.memory_space<hbm>>
    %dma_wait3A_474 = tpu.memref_squeeze %dma_wait3A_473 : memref<1x16384xi32, #tpu.memory_space<hbm>> -> memref<16384xi32, #tpu.memory_space<hbm>>
    %dma_wait3A_475 = tpu.memref_slice %dma_wait3A_474[%mul3A_2] : memref<16384xi32, #tpu.memory_space<hbm>> -> memref<512xi32, #tpu.memory_space<hbm>>
    %dma_wait3A_476 = tpu.memref_slice %arg5[%multiple_of3A_469] : memref<13312xi32, #tpu.memory_space<vmem>> -> memref<512xi32, #tpu.memory_space<vmem>>
    %dma_wait3A_477 = arith.constant 0 : i32
    %dma_wait3A_478 = tpu.memref_slice %arg2[%dma_wait3A_470, %dma_wait3A_477] : memref<26x16384xi32, #tpu.memory_space<hbm>> -> memref<1x16384xi32, #tpu.memory_space<hbm>>
    %dma_wait3A_479 = tpu.memref_squeeze %dma_wait3A_478 : memref<1x16384xi32, #tpu.memory_space<hbm>> -> memref<16384xi32, #tpu.memory_space<hbm>>
    %dma_wait3A_480 = tpu.memref_slice %dma_wait3A_479[%mul3A_2] : memref<16384xi32, #tpu.memory_space<hbm>> -> memref<512xi32, #tpu.memory_space<hbm>>
    tpu.wait_dma2 semaphore(%arg8 : memref<!tpu.dma_semaphore, #tpu.memory_space<semaphore_mem>>) src(%dma_wait3A_480 : memref<512xi32, #tpu.memory_space<hbm>>) dst(%dma_wait3A_476 : memref<512xi32, #tpu.memory_space<vmem>>)
    %multiple_of3A_481 = arith.constant 5632 : i32
    %multiple_of3A_482 = tpu.assume_multiple %multiple_of3A_481, 512 : i32
    %dma_wait3A_483 = arith.constant 11 : i32
    %dma_wait3A_484 = tpu.memref_slice %arg5[%multiple_of3A_482] : memref<13312xi32, #tpu.memory_space<vmem>> -> memref<512xi32, #tpu.memory_space<vmem>>
    %dma_wait3A_485 = arith.constant 0 : i32
    %dma_wait3A_486 = tpu.memref_slice %arg2[%dma_wait3A_483, %dma_wait3A_485] : memref<26x16384xi32, #tpu.memory_space<hbm>> -> memref<1x16384xi32, #tpu.memory_space<hbm>>
    %dma_wait3A_487 = tpu.memref_squeeze %dma_wait3A_486 : memref<1x16384xi32, #tpu.memory_space<hbm>> -> memref<16384xi32, #tpu.memory_space<hbm>>
    %dma_wait3A_488 = tpu.memref_slice %dma_wait3A_487[%mul3A_2] : memref<16384xi32, #tpu.memory_space<hbm>> -> memref<512xi32, #tpu.memory_space<hbm>>
    %dma_wait3A_489 = tpu.memref_slice %arg5[%multiple_of3A_482] : memref<13312xi32, #tpu.memory_space<vmem>> -> memref<512xi32, #tpu.memory_space<vmem>>
    %dma_wait3A_490 = arith.constant 0 : i32
    %dma_wait3A_491 = tpu.memref_slice %arg2[%dma_wait3A_483, %dma_wait3A_490] : memref<26x16384xi32, #tpu.memory_space<hbm>> -> memref<1x16384xi32, #tpu.memory_space<hbm>>
    %dma_wait3A_492 = tpu.memref_squeeze %dma_wait3A_491 : memref<1x16384xi32, #tpu.memory_space<hbm>> -> memref<16384xi32, #tpu.memory_space<hbm>>
    %dma_wait3A_493 = tpu.memref_slice %dma_wait3A_492[%mul3A_2] : memref<16384xi32, #tpu.memory_space<hbm>> -> memref<512xi32, #tpu.memory_space<hbm>>
    tpu.wait_dma2 semaphore(%arg8 : memref<!tpu.dma_semaphore, #tpu.memory_space<semaphore_mem>>) src(%dma_wait3A_493 : memref<512xi32, #tpu.memory_space<hbm>>) dst(%dma_wait3A_489 : memref<512xi32, #tpu.memory_space<vmem>>)
    %multiple_of3A_494 = arith.constant 6144 : i32
    %multiple_of3A_495 = tpu.assume_multiple %multiple_of3A_494, 512 : i32
    %dma_wait3A_496 = arith.constant 12 : i32
    %dma_wait3A_497 = tpu.memref_slice %arg5[%multiple_of3A_495] : memref<13312xi32, #tpu.memory_space<vmem>> -> memref<512xi32, #tpu.memory_space<vmem>>
    %dma_wait3A_498 = arith.constant 0 : i32
    %dma_wait3A_499 = tpu.memref_slice %arg2[%dma_wait3A_496, %dma_wait3A_498] : memref<26x16384xi32, #tpu.memory_space<hbm>> -> memref<1x16384xi32, #tpu.memory_space<hbm>>
    %dma_wait3A_500 = tpu.memref_squeeze %dma_wait3A_499 : memref<1x16384xi32, #tpu.memory_space<hbm>> -> memref<16384xi32, #tpu.memory_space<hbm>>
    %dma_wait3A_501 = tpu.memref_slice %dma_wait3A_500[%mul3A_2] : memref<16384xi32, #tpu.memory_space<hbm>> -> memref<512xi32, #tpu.memory_space<hbm>>
    %dma_wait3A_502 = tpu.memref_slice %arg5[%multiple_of3A_495] : memref<13312xi32, #tpu.memory_space<vmem>> -> memref<512xi32, #tpu.memory_space<vmem>>
    %dma_wait3A_503 = arith.constant 0 : i32
    %dma_wait3A_504 = tpu.memref_slice %arg2[%dma_wait3A_496, %dma_wait3A_503] : memref<26x16384xi32, #tpu.memory_space<hbm>> -> memref<1x16384xi32, #tpu.memory_space<hbm>>
    %dma_wait3A_505 = tpu.memref_squeeze %dma_wait3A_504 : memref<1x16384xi32, #tpu.memory_space<hbm>> -> memref<16384xi32, #tpu.memory_space<hbm>>
    %dma_wait3A_506 = tpu.memref_slice %dma_wait3A_505[%mul3A_2] : memref<16384xi32, #tpu.memory_space<hbm>> -> memref<512xi32, #tpu.memory_space<hbm>>
    tpu.wait_dma2 semaphore(%arg8 : memref<!tpu.dma_semaphore, #tpu.memory_space<semaphore_mem>>) src(%dma_wait3A_506 : memref<512xi32, #tpu.memory_space<hbm>>) dst(%dma_wait3A_502 : memref<512xi32, #tpu.memory_space<vmem>>)
    %multiple_of3A_507 = arith.constant 6656 : i32
    %multiple_of3A_508 = tpu.assume_multiple %multiple_of3A_507, 512 : i32
    %dma_wait3A_509 = arith.constant 13 : i32
    %dma_wait3A_510 = tpu.memref_slice %arg5[%multiple_of3A_508] : memref<13312xi32, #tpu.memory_space<vmem>> -> memref<512xi32, #tpu.memory_space<vmem>>
    %dma_wait3A_511 = arith.constant 0 : i32
    %dma_wait3A_512 = tpu.memref_slice %arg2[%dma_wait3A_509, %dma_wait3A_511] : memref<26x16384xi32, #tpu.memory_space<hbm>> -> memref<1x16384xi32, #tpu.memory_space<hbm>>
    %dma_wait3A_513 = tpu.memref_squeeze %dma_wait3A_512 : memref<1x16384xi32, #tpu.memory_space<hbm>> -> memref<16384xi32, #tpu.memory_space<hbm>>
    %dma_wait3A_514 = tpu.memref_slice %dma_wait3A_513[%mul3A_2] : memref<16384xi32, #tpu.memory_space<hbm>> -> memref<512xi32, #tpu.memory_space<hbm>>
    %dma_wait3A_515 = tpu.memref_slice %arg5[%multiple_of3A_508] : memref<13312xi32, #tpu.memory_space<vmem>> -> memref<512xi32, #tpu.memory_space<vmem>>
    %dma_wait3A_516 = arith.constant 0 : i32
    %dma_wait3A_517 = tpu.memref_slice %arg2[%dma_wait3A_509, %dma_wait3A_516] : memref<26x16384xi32, #tpu.memory_space<hbm>> -> memref<1x16384xi32, #tpu.memory_space<hbm>>
    %dma_wait3A_518 = tpu.memref_squeeze %dma_wait3A_517 : memref<1x16384xi32, #tpu.memory_space<hbm>> -> memref<16384xi32, #tpu.memory_space<hbm>>
    %dma_wait3A_519 = tpu.memref_slice %dma_wait3A_518[%mul3A_2] : memref<16384xi32, #tpu.memory_space<hbm>> -> memref<512xi32, #tpu.memory_space<hbm>>
    tpu.wait_dma2 semaphore(%arg8 : memref<!tpu.dma_semaphore, #tpu.memory_space<semaphore_mem>>) src(%dma_wait3A_519 : memref<512xi32, #tpu.memory_space<hbm>>) dst(%dma_wait3A_515 : memref<512xi32, #tpu.memory_space<vmem>>)
    %multiple_of3A_520 = arith.constant 7168 : i32
    %multiple_of3A_521 = tpu.assume_multiple %multiple_of3A_520, 512 : i32
    %dma_wait3A_522 = arith.constant 14 : i32
    %dma_wait3A_523 = tpu.memref_slice %arg5[%multiple_of3A_521] : memref<13312xi32, #tpu.memory_space<vmem>> -> memref<512xi32, #tpu.memory_space<vmem>>
    %dma_wait3A_524 = arith.constant 0 : i32
    %dma_wait3A_525 = tpu.memref_slice %arg2[%dma_wait3A_522, %dma_wait3A_524] : memref<26x16384xi32, #tpu.memory_space<hbm>> -> memref<1x16384xi32, #tpu.memory_space<hbm>>
    %dma_wait3A_526 = tpu.memref_squeeze %dma_wait3A_525 : memref<1x16384xi32, #tpu.memory_space<hbm>> -> memref<16384xi32, #tpu.memory_space<hbm>>
    %dma_wait3A_527 = tpu.memref_slice %dma_wait3A_526[%mul3A_2] : memref<16384xi32, #tpu.memory_space<hbm>> -> memref<512xi32, #tpu.memory_space<hbm>>
    %dma_wait3A_528 = tpu.memref_slice %arg5[%multiple_of3A_521] : memref<13312xi32, #tpu.memory_space<vmem>> -> memref<512xi32, #tpu.memory_space<vmem>>
    %dma_wait3A_529 = arith.constant 0 : i32
    %dma_wait3A_530 = tpu.memref_slice %arg2[%dma_wait3A_522, %dma_wait3A_529] : memref<26x16384xi32, #tpu.memory_space<hbm>> -> memref<1x16384xi32, #tpu.memory_space<hbm>>
    %dma_wait3A_531 = tpu.memref_squeeze %dma_wait3A_530 : memref<1x16384xi32, #tpu.memory_space<hbm>> -> memref<16384xi32, #tpu.memory_space<hbm>>
    %dma_wait3A_532 = tpu.memref_slice %dma_wait3A_531[%mul3A_2] : memref<16384xi32, #tpu.memory_space<hbm>> -> memref<512xi32, #tpu.memory_space<hbm>>
    tpu.wait_dma2 semaphore(%arg8 : memref<!tpu.dma_semaphore, #tpu.memory_space<semaphore_mem>>) src(%dma_wait3A_532 : memref<512xi32, #tpu.memory_space<hbm>>) dst(%dma_wait3A_528 : memref<512xi32, #tpu.memory_space<vmem>>)
    %multiple_of3A_533 = arith.constant 7680 : i32
    %multiple_of3A_534 = tpu.assume_multiple %multiple_of3A_533, 512 : i32
    %dma_wait3A_535 = arith.constant 15 : i32
    %dma_wait3A_536 = tpu.memref_slice %arg5[%multiple_of3A_534] : memref<13312xi32, #tpu.memory_space<vmem>> -> memref<512xi32, #tpu.memory_space<vmem>>
    %dma_wait3A_537 = arith.constant 0 : i32
    %dma_wait3A_538 = tpu.memref_slice %arg2[%dma_wait3A_535, %dma_wait3A_537] : memref<26x16384xi32, #tpu.memory_space<hbm>> -> memref<1x16384xi32, #tpu.memory_space<hbm>>
    %dma_wait3A_539 = tpu.memref_squeeze %dma_wait3A_538 : memref<1x16384xi32, #tpu.memory_space<hbm>> -> memref<16384xi32, #tpu.memory_space<hbm>>
    %dma_wait3A_540 = tpu.memref_slice %dma_wait3A_539[%mul3A_2] : memref<16384xi32, #tpu.memory_space<hbm>> -> memref<512xi32, #tpu.memory_space<hbm>>
    %dma_wait3A_541 = tpu.memref_slice %arg5[%multiple_of3A_534] : memref<13312xi32, #tpu.memory_space<vmem>> -> memref<512xi32, #tpu.memory_space<vmem>>
    %dma_wait3A_542 = arith.constant 0 : i32
    %dma_wait3A_543 = tpu.memref_slice %arg2[%dma_wait3A_535, %dma_wait3A_542] : memref<26x16384xi32, #tpu.memory_space<hbm>> -> memref<1x16384xi32, #tpu.memory_space<hbm>>
    %dma_wait3A_544 = tpu.memref_squeeze %dma_wait3A_543 : memref<1x16384xi32, #tpu.memory_space<hbm>> -> memref<16384xi32, #tpu.memory_space<hbm>>
    %dma_wait3A_545 = tpu.memref_slice %dma_wait3A_544[%mul3A_2] : memref<16384xi32, #tpu.memory_space<hbm>> -> memref<512xi32, #tpu.memory_space<hbm>>
    tpu.wait_dma2 semaphore(%arg8 : memref<!tpu.dma_semaphore, #tpu.memory_space<semaphore_mem>>) src(%dma_wait3A_545 : memref<512xi32, #tpu.memory_space<hbm>>) dst(%dma_wait3A_541 : memref<512xi32, #tpu.memory_space<vmem>>)
    %multiple_of3A_546 = arith.constant 8192 : i32
    %multiple_of3A_547 = tpu.assume_multiple %multiple_of3A_546, 512 : i32
    %dma_wait3A_548 = arith.constant 16 : i32
    %dma_wait3A_549 = tpu.memref_slice %arg5[%multiple_of3A_547] : memref<13312xi32, #tpu.memory_space<vmem>> -> memref<512xi32, #tpu.memory_space<vmem>>
    %dma_wait3A_550 = arith.constant 0 : i32
    %dma_wait3A_551 = tpu.memref_slice %arg2[%dma_wait3A_548, %dma_wait3A_550] : memref<26x16384xi32, #tpu.memory_space<hbm>> -> memref<1x16384xi32, #tpu.memory_space<hbm>>
    %dma_wait3A_552 = tpu.memref_squeeze %dma_wait3A_551 : memref<1x16384xi32, #tpu.memory_space<hbm>> -> memref<16384xi32, #tpu.memory_space<hbm>>
    %dma_wait3A_553 = tpu.memref_slice %dma_wait3A_552[%mul3A_2] : memref<16384xi32, #tpu.memory_space<hbm>> -> memref<512xi32, #tpu.memory_space<hbm>>
    %dma_wait3A_554 = tpu.memref_slice %arg5[%multiple_of3A_547] : memref<13312xi32, #tpu.memory_space<vmem>> -> memref<512xi32, #tpu.memory_space<vmem>>
    %dma_wait3A_555 = arith.constant 0 : i32
    %dma_wait3A_556 = tpu.memref_slice %arg2[%dma_wait3A_548, %dma_wait3A_555] : memref<26x16384xi32, #tpu.memory_space<hbm>> -> memref<1x16384xi32, #tpu.memory_space<hbm>>
    %dma_wait3A_557 = tpu.memref_squeeze %dma_wait3A_556 : memref<1x16384xi32, #tpu.memory_space<hbm>> -> memref<16384xi32, #tpu.memory_space<hbm>>
    %dma_wait3A_558 = tpu.memref_slice %dma_wait3A_557[%mul3A_2] : memref<16384xi32, #tpu.memory_space<hbm>> -> memref<512xi32, #tpu.memory_space<hbm>>
    tpu.wait_dma2 semaphore(%arg8 : memref<!tpu.dma_semaphore, #tpu.memory_space<semaphore_mem>>) src(%dma_wait3A_558 : memref<512xi32, #tpu.memory_space<hbm>>) dst(%dma_wait3A_554 : memref<512xi32, #tpu.memory_space<vmem>>)
    %multiple_of3A_559 = arith.constant 8704 : i32
    %multiple_of3A_560 = tpu.assume_multiple %multiple_of3A_559, 512 : i32
    %dma_wait3A_561 = arith.constant 17 : i32
    %dma_wait3A_562 = tpu.memref_slice %arg5[%multiple_of3A_560] : memref<13312xi32, #tpu.memory_space<vmem>> -> memref<512xi32, #tpu.memory_space<vmem>>
    %dma_wait3A_563 = arith.constant 0 : i32
    %dma_wait3A_564 = tpu.memref_slice %arg2[%dma_wait3A_561, %dma_wait3A_563] : memref<26x16384xi32, #tpu.memory_space<hbm>> -> memref<1x16384xi32, #tpu.memory_space<hbm>>
    %dma_wait3A_565 = tpu.memref_squeeze %dma_wait3A_564 : memref<1x16384xi32, #tpu.memory_space<hbm>> -> memref<16384xi32, #tpu.memory_space<hbm>>
    %dma_wait3A_566 = tpu.memref_slice %dma_wait3A_565[%mul3A_2] : memref<16384xi32, #tpu.memory_space<hbm>> -> memref<512xi32, #tpu.memory_space<hbm>>
    %dma_wait3A_567 = tpu.memref_slice %arg5[%multiple_of3A_560] : memref<13312xi32, #tpu.memory_space<vmem>> -> memref<512xi32, #tpu.memory_space<vmem>>
    %dma_wait3A_568 = arith.constant 0 : i32
    %dma_wait3A_569 = tpu.memref_slice %arg2[%dma_wait3A_561, %dma_wait3A_568] : memref<26x16384xi32, #tpu.memory_space<hbm>> -> memref<1x16384xi32, #tpu.memory_space<hbm>>
    %dma_wait3A_570 = tpu.memref_squeeze %dma_wait3A_569 : memref<1x16384xi32, #tpu.memory_space<hbm>> -> memref<16384xi32, #tpu.memory_space<hbm>>
    %dma_wait3A_571 = tpu.memref_slice %dma_wait3A_570[%mul3A_2] : memref<16384xi32, #tpu.memory_space<hbm>> -> memref<512xi32, #tpu.memory_space<hbm>>
    tpu.wait_dma2 semaphore(%arg8 : memref<!tpu.dma_semaphore, #tpu.memory_space<semaphore_mem>>) src(%dma_wait3A_571 : memref<512xi32, #tpu.memory_space<hbm>>) dst(%dma_wait3A_567 : memref<512xi32, #tpu.memory_space<vmem>>)
    %multiple_of3A_572 = arith.constant 9216 : i32
    %multiple_of3A_573 = tpu.assume_multiple %multiple_of3A_572, 512 : i32
    %dma_wait3A_574 = arith.constant 18 : i32
    %dma_wait3A_575 = tpu.memref_slice %arg5[%multiple_of3A_573] : memref<13312xi32, #tpu.memory_space<vmem>> -> memref<512xi32, #tpu.memory_space<vmem>>
    %dma_wait3A_576 = arith.constant 0 : i32
    %dma_wait3A_577 = tpu.memref_slice %arg2[%dma_wait3A_574, %dma_wait3A_576] : memref<26x16384xi32, #tpu.memory_space<hbm>> -> memref<1x16384xi32, #tpu.memory_space<hbm>>
    %dma_wait3A_578 = tpu.memref_squeeze %dma_wait3A_577 : memref<1x16384xi32, #tpu.memory_space<hbm>> -> memref<16384xi32, #tpu.memory_space<hbm>>
    %dma_wait3A_579 = tpu.memref_slice %dma_wait3A_578[%mul3A_2] : memref<16384xi32, #tpu.memory_space<hbm>> -> memref<512xi32, #tpu.memory_space<hbm>>
    %dma_wait3A_580 = tpu.memref_slice %arg5[%multiple_of3A_573] : memref<13312xi32, #tpu.memory_space<vmem>> -> memref<512xi32, #tpu.memory_space<vmem>>
    %dma_wait3A_581 = arith.constant 0 : i32
    %dma_wait3A_582 = tpu.memref_slice %arg2[%dma_wait3A_574, %dma_wait3A_581] : memref<26x16384xi32, #tpu.memory_space<hbm>> -> memref<1x16384xi32, #tpu.memory_space<hbm>>
    %dma_wait3A_583 = tpu.memref_squeeze %dma_wait3A_582 : memref<1x16384xi32, #tpu.memory_space<hbm>> -> memref<16384xi32, #tpu.memory_space<hbm>>
    %dma_wait3A_584 = tpu.memref_slice %dma_wait3A_583[%mul3A_2] : memref<16384xi32, #tpu.memory_space<hbm>> -> memref<512xi32, #tpu.memory_space<hbm>>
    tpu.wait_dma2 semaphore(%arg8 : memref<!tpu.dma_semaphore, #tpu.memory_space<semaphore_mem>>) src(%dma_wait3A_584 : memref<512xi32, #tpu.memory_space<hbm>>) dst(%dma_wait3A_580 : memref<512xi32, #tpu.memory_space<vmem>>)
    %multiple_of3A_585 = arith.constant 9728 : i32
    %multiple_of3A_586 = tpu.assume_multiple %multiple_of3A_585, 512 : i32
    %dma_wait3A_587 = arith.constant 19 : i32
    %dma_wait3A_588 = tpu.memref_slice %arg5[%multiple_of3A_586] : memref<13312xi32, #tpu.memory_space<vmem>> -> memref<512xi32, #tpu.memory_space<vmem>>
    %dma_wait3A_589 = arith.constant 0 : i32
    %dma_wait3A_590 = tpu.memref_slice %arg2[%dma_wait3A_587, %dma_wait3A_589] : memref<26x16384xi32, #tpu.memory_space<hbm>> -> memref<1x16384xi32, #tpu.memory_space<hbm>>
    %dma_wait3A_591 = tpu.memref_squeeze %dma_wait3A_590 : memref<1x16384xi32, #tpu.memory_space<hbm>> -> memref<16384xi32, #tpu.memory_space<hbm>>
    %dma_wait3A_592 = tpu.memref_slice %dma_wait3A_591[%mul3A_2] : memref<16384xi32, #tpu.memory_space<hbm>> -> memref<512xi32, #tpu.memory_space<hbm>>
    %dma_wait3A_593 = tpu.memref_slice %arg5[%multiple_of3A_586] : memref<13312xi32, #tpu.memory_space<vmem>> -> memref<512xi32, #tpu.memory_space<vmem>>
    %dma_wait3A_594 = arith.constant 0 : i32
    %dma_wait3A_595 = tpu.memref_slice %arg2[%dma_wait3A_587, %dma_wait3A_594] : memref<26x16384xi32, #tpu.memory_space<hbm>> -> memref<1x16384xi32, #tpu.memory_space<hbm>>
    %dma_wait3A_596 = tpu.memref_squeeze %dma_wait3A_595 : memref<1x16384xi32, #tpu.memory_space<hbm>> -> memref<16384xi32, #tpu.memory_space<hbm>>
    %dma_wait3A_597 = tpu.memref_slice %dma_wait3A_596[%mul3A_2] : memref<16384xi32, #tpu.memory_space<hbm>> -> memref<512xi32, #tpu.memory_space<hbm>>
    tpu.wait_dma2 semaphore(%arg8 : memref<!tpu.dma_semaphore, #tpu.memory_space<semaphore_mem>>) src(%dma_wait3A_597 : memref<512xi32, #tpu.memory_space<hbm>>) dst(%dma_wait3A_593 : memref<512xi32, #tpu.memory_space<vmem>>)
    %multiple_of3A_598 = arith.constant 10240 : i32
    %multiple_of3A_599 = tpu.assume_multiple %multiple_of3A_598, 512 : i32
    %dma_wait3A_600 = arith.constant 20 : i32
    %dma_wait3A_601 = tpu.memref_slice %arg5[%multiple_of3A_599] : memref<13312xi32, #tpu.memory_space<vmem>> -> memref<512xi32, #tpu.memory_space<vmem>>
    %dma_wait3A_602 = arith.constant 0 : i32
    %dma_wait3A_603 = tpu.memref_slice %arg2[%dma_wait3A_600, %dma_wait3A_602] : memref<26x16384xi32, #tpu.memory_space<hbm>> -> memref<1x16384xi32, #tpu.memory_space<hbm>>
    %dma_wait3A_604 = tpu.memref_squeeze %dma_wait3A_603 : memref<1x16384xi32, #tpu.memory_space<hbm>> -> memref<16384xi32, #tpu.memory_space<hbm>>
    %dma_wait3A_605 = tpu.memref_slice %dma_wait3A_604[%mul3A_2] : memref<16384xi32, #tpu.memory_space<hbm>> -> memref<512xi32, #tpu.memory_space<hbm>>
    %dma_wait3A_606 = tpu.memref_slice %arg5[%multiple_of3A_599] : memref<13312xi32, #tpu.memory_space<vmem>> -> memref<512xi32, #tpu.memory_space<vmem>>
    %dma_wait3A_607 = arith.constant 0 : i32
    %dma_wait3A_608 = tpu.memref_slice %arg2[%dma_wait3A_600, %dma_wait3A_607] : memref<26x16384xi32, #tpu.memory_space<hbm>> -> memref<1x16384xi32, #tpu.memory_space<hbm>>
    %dma_wait3A_609 = tpu.memref_squeeze %dma_wait3A_608 : memref<1x16384xi32, #tpu.memory_space<hbm>> -> memref<16384xi32, #tpu.memory_space<hbm>>
    %dma_wait3A_610 = tpu.memref_slice %dma_wait3A_609[%mul3A_2] : memref<16384xi32, #tpu.memory_space<hbm>> -> memref<512xi32, #tpu.memory_space<hbm>>
    tpu.wait_dma2 semaphore(%arg8 : memref<!tpu.dma_semaphore, #tpu.memory_space<semaphore_mem>>) src(%dma_wait3A_610 : memref<512xi32, #tpu.memory_space<hbm>>) dst(%dma_wait3A_606 : memref<512xi32, #tpu.memory_space<vmem>>)
    %multiple_of3A_611 = arith.constant 10752 : i32
    %multiple_of3A_612 = tpu.assume_multiple %multiple_of3A_611, 512 : i32
    %dma_wait3A_613 = arith.constant 21 : i32
    %dma_wait3A_614 = tpu.memref_slice %arg5[%multiple_of3A_612] : memref<13312xi32, #tpu.memory_space<vmem>> -> memref<512xi32, #tpu.memory_space<vmem>>
    %dma_wait3A_615 = arith.constant 0 : i32
    %dma_wait3A_616 = tpu.memref_slice %arg2[%dma_wait3A_613, %dma_wait3A_615] : memref<26x16384xi32, #tpu.memory_space<hbm>> -> memref<1x16384xi32, #tpu.memory_space<hbm>>
    %dma_wait3A_617 = tpu.memref_squeeze %dma_wait3A_616 : memref<1x16384xi32, #tpu.memory_space<hbm>> -> memref<16384xi32, #tpu.memory_space<hbm>>
    %dma_wait3A_618 = tpu.memref_slice %dma_wait3A_617[%mul3A_2] : memref<16384xi32, #tpu.memory_space<hbm>> -> memref<512xi32, #tpu.memory_space<hbm>>
    %dma_wait3A_619 = tpu.memref_slice %arg5[%multiple_of3A_612] : memref<13312xi32, #tpu.memory_space<vmem>> -> memref<512xi32, #tpu.memory_space<vmem>>
    %dma_wait3A_620 = arith.constant 0 : i32
    %dma_wait3A_621 = tpu.memref_slice %arg2[%dma_wait3A_613, %dma_wait3A_620] : memref<26x16384xi32, #tpu.memory_space<hbm>> -> memref<1x16384xi32, #tpu.memory_space<hbm>>
    %dma_wait3A_622 = tpu.memref_squeeze %dma_wait3A_621 : memref<1x16384xi32, #tpu.memory_space<hbm>> -> memref<16384xi32, #tpu.memory_space<hbm>>
    %dma_wait3A_623 = tpu.memref_slice %dma_wait3A_622[%mul3A_2] : memref<16384xi32, #tpu.memory_space<hbm>> -> memref<512xi32, #tpu.memory_space<hbm>>
    tpu.wait_dma2 semaphore(%arg8 : memref<!tpu.dma_semaphore, #tpu.memory_space<semaphore_mem>>) src(%dma_wait3A_623 : memref<512xi32, #tpu.memory_space<hbm>>) dst(%dma_wait3A_619 : memref<512xi32, #tpu.memory_space<vmem>>)
    %multiple_of3A_624 = arith.constant 11264 : i32
    %multiple_of3A_625 = tpu.assume_multiple %multiple_of3A_624, 512 : i32
    %dma_wait3A_626 = arith.constant 22 : i32
    %dma_wait3A_627 = tpu.memref_slice %arg5[%multiple_of3A_625] : memref<13312xi32, #tpu.memory_space<vmem>> -> memref<512xi32, #tpu.memory_space<vmem>>
    %dma_wait3A_628 = arith.constant 0 : i32
    %dma_wait3A_629 = tpu.memref_slice %arg2[%dma_wait3A_626, %dma_wait3A_628] : memref<26x16384xi32, #tpu.memory_space<hbm>> -> memref<1x16384xi32, #tpu.memory_space<hbm>>
    %dma_wait3A_630 = tpu.memref_squeeze %dma_wait3A_629 : memref<1x16384xi32, #tpu.memory_space<hbm>> -> memref<16384xi32, #tpu.memory_space<hbm>>
    %dma_wait3A_631 = tpu.memref_slice %dma_wait3A_630[%mul3A_2] : memref<16384xi32, #tpu.memory_space<hbm>> -> memref<512xi32, #tpu.memory_space<hbm>>
    %dma_wait3A_632 = tpu.memref_slice %arg5[%multiple_of3A_625] : memref<13312xi32, #tpu.memory_space<vmem>> -> memref<512xi32, #tpu.memory_space<vmem>>
    %dma_wait3A_633 = arith.constant 0 : i32
    %dma_wait3A_634 = tpu.memref_slice %arg2[%dma_wait3A_626, %dma_wait3A_633] : memref<26x16384xi32, #tpu.memory_space<hbm>> -> memref<1x16384xi32, #tpu.memory_space<hbm>>
    %dma_wait3A_635 = tpu.memref_squeeze %dma_wait3A_634 : memref<1x16384xi32, #tpu.memory_space<hbm>> -> memref<16384xi32, #tpu.memory_space<hbm>>
    %dma_wait3A_636 = tpu.memref_slice %dma_wait3A_635[%mul3A_2] : memref<16384xi32, #tpu.memory_space<hbm>> -> memref<512xi32, #tpu.memory_space<hbm>>
    tpu.wait_dma2 semaphore(%arg8 : memref<!tpu.dma_semaphore, #tpu.memory_space<semaphore_mem>>) src(%dma_wait3A_636 : memref<512xi32, #tpu.memory_space<hbm>>) dst(%dma_wait3A_632 : memref<512xi32, #tpu.memory_space<vmem>>)
    %multiple_of3A_637 = arith.constant 11776 : i32
    %multiple_of3A_638 = tpu.assume_multiple %multiple_of3A_637, 512 : i32
    %dma_wait3A_639 = arith.constant 23 : i32
    %dma_wait3A_640 = tpu.memref_slice %arg5[%multiple_of3A_638] : memref<13312xi32, #tpu.memory_space<vmem>> -> memref<512xi32, #tpu.memory_space<vmem>>
    %dma_wait3A_641 = arith.constant 0 : i32
    %dma_wait3A_642 = tpu.memref_slice %arg2[%dma_wait3A_639, %dma_wait3A_641] : memref<26x16384xi32, #tpu.memory_space<hbm>> -> memref<1x16384xi32, #tpu.memory_space<hbm>>
    %dma_wait3A_643 = tpu.memref_squeeze %dma_wait3A_642 : memref<1x16384xi32, #tpu.memory_space<hbm>> -> memref<16384xi32, #tpu.memory_space<hbm>>
    %dma_wait3A_644 = tpu.memref_slice %dma_wait3A_643[%mul3A_2] : memref<16384xi32, #tpu.memory_space<hbm>> -> memref<512xi32, #tpu.memory_space<hbm>>
    %dma_wait3A_645 = tpu.memref_slice %arg5[%multiple_of3A_638] : memref<13312xi32, #tpu.memory_space<vmem>> -> memref<512xi32, #tpu.memory_space<vmem>>
    %dma_wait3A_646 = arith.constant 0 : i32
    %dma_wait3A_647 = tpu.memref_slice %arg2[%dma_wait3A_639, %dma_wait3A_646] : memref<26x16384xi32, #tpu.memory_space<hbm>> -> memref<1x16384xi32, #tpu.memory_space<hbm>>
    %dma_wait3A_648 = tpu.memref_squeeze %dma_wait3A_647 : memref<1x16384xi32, #tpu.memory_space<hbm>> -> memref<16384xi32, #tpu.memory_space<hbm>>
    %dma_wait3A_649 = tpu.memref_slice %dma_wait3A_648[%mul3A_2] : memref<16384xi32, #tpu.memory_space<hbm>> -> memref<512xi32, #tpu.memory_space<hbm>>
    tpu.wait_dma2 semaphore(%arg8 : memref<!tpu.dma_semaphore, #tpu.memory_space<semaphore_mem>>) src(%dma_wait3A_649 : memref<512xi32, #tpu.memory_space<hbm>>) dst(%dma_wait3A_645 : memref<512xi32, #tpu.memory_space<vmem>>)
    %multiple_of3A_650 = arith.constant 12288 : i32
    %multiple_of3A_651 = tpu.assume_multiple %multiple_of3A_650, 512 : i32
    %dma_wait3A_652 = arith.constant 24 : i32
    %dma_wait3A_653 = tpu.memref_slice %arg5[%multiple_of3A_651] : memref<13312xi32, #tpu.memory_space<vmem>> -> memref<512xi32, #tpu.memory_space<vmem>>
    %dma_wait3A_654 = arith.constant 0 : i32
    %dma_wait3A_655 = tpu.memref_slice %arg2[%dma_wait3A_652, %dma_wait3A_654] : memref<26x16384xi32, #tpu.memory_space<hbm>> -> memref<1x16384xi32, #tpu.memory_space<hbm>>
    %dma_wait3A_656 = tpu.memref_squeeze %dma_wait3A_655 : memref<1x16384xi32, #tpu.memory_space<hbm>> -> memref<16384xi32, #tpu.memory_space<hbm>>
    %dma_wait3A_657 = tpu.memref_slice %dma_wait3A_656[%mul3A_2] : memref<16384xi32, #tpu.memory_space<hbm>> -> memref<512xi32, #tpu.memory_space<hbm>>
    %dma_wait3A_658 = tpu.memref_slice %arg5[%multiple_of3A_651] : memref<13312xi32, #tpu.memory_space<vmem>> -> memref<512xi32, #tpu.memory_space<vmem>>
    %dma_wait3A_659 = arith.constant 0 : i32
    %dma_wait3A_660 = tpu.memref_slice %arg2[%dma_wait3A_652, %dma_wait3A_659] : memref<26x16384xi32, #tpu.memory_space<hbm>> -> memref<1x16384xi32, #tpu.memory_space<hbm>>
    %dma_wait3A_661 = tpu.memref_squeeze %dma_wait3A_660 : memref<1x16384xi32, #tpu.memory_space<hbm>> -> memref<16384xi32, #tpu.memory_space<hbm>>
    %dma_wait3A_662 = tpu.memref_slice %dma_wait3A_661[%mul3A_2] : memref<16384xi32, #tpu.memory_space<hbm>> -> memref<512xi32, #tpu.memory_space<hbm>>
    tpu.wait_dma2 semaphore(%arg8 : memref<!tpu.dma_semaphore, #tpu.memory_space<semaphore_mem>>) src(%dma_wait3A_662 : memref<512xi32, #tpu.memory_space<hbm>>) dst(%dma_wait3A_658 : memref<512xi32, #tpu.memory_space<vmem>>)
    %multiple_of3A_663 = arith.constant 12800 : i32
    %multiple_of3A_664 = tpu.assume_multiple %multiple_of3A_663, 512 : i32
    %dma_wait3A_665 = arith.constant 25 : i32
    %dma_wait3A_666 = tpu.memref_slice %arg5[%multiple_of3A_664] : memref<13312xi32, #tpu.memory_space<vmem>> -> memref<512xi32, #tpu.memory_space<vmem>>
    %dma_wait3A_667 = arith.constant 0 : i32
    %dma_wait3A_668 = tpu.memref_slice %arg2[%dma_wait3A_665, %dma_wait3A_667] : memref<26x16384xi32, #tpu.memory_space<hbm>> -> memref<1x16384xi32, #tpu.memory_space<hbm>>
    %dma_wait3A_669 = tpu.memref_squeeze %dma_wait3A_668 : memref<1x16384xi32, #tpu.memory_space<hbm>> -> memref<16384xi32, #tpu.memory_space<hbm>>
    %dma_wait3A_670 = tpu.memref_slice %dma_wait3A_669[%mul3A_2] : memref<16384xi32, #tpu.memory_space<hbm>> -> memref<512xi32, #tpu.memory_space<hbm>>
    %dma_wait3A_671 = tpu.memref_slice %arg5[%multiple_of3A_664] : memref<13312xi32, #tpu.memory_space<vmem>> -> memref<512xi32, #tpu.memory_space<vmem>>
    %dma_wait3A_672 = arith.constant 0 : i32
    %dma_wait3A_673 = tpu.memref_slice %arg2[%dma_wait3A_665, %dma_wait3A_672] : memref<26x16384xi32, #tpu.memory_space<hbm>> -> memref<1x16384xi32, #tpu.memory_space<hbm>>
    %dma_wait3A_674 = tpu.memref_squeeze %dma_wait3A_673 : memref<1x16384xi32, #tpu.memory_space<hbm>> -> memref<16384xi32, #tpu.memory_space<hbm>>
    %dma_wait3A_675 = tpu.memref_slice %dma_wait3A_674[%mul3A_2] : memref<16384xi32, #tpu.memory_space<hbm>> -> memref<512xi32, #tpu.memory_space<hbm>>
    tpu.wait_dma2 semaphore(%arg8 : memref<!tpu.dma_semaphore, #tpu.memory_space<semaphore_mem>>) src(%dma_wait3A_675 : memref<512xi32, #tpu.memory_space<hbm>>) dst(%dma_wait3A_671 : memref<512xi32, #tpu.memory_space<vmem>>)
    %dma_start3A_676 = arith.constant 0 : i32
    %dma_start3A_677 = arith.constant 0 : i32
    %dma_start3A_678 = tpu.memref_slice %arg3[%dma_start3A_676, %dma_start3A_677] : memref<1x1000000xf32, #tpu.memory_space<hbm>> -> memref<1x1000000xf32, #tpu.memory_space<hbm>>
    %dma_start3A_679 = tpu.memref_squeeze %dma_start3A_678 : memref<1x1000000xf32, #tpu.memory_space<hbm>> -> memref<1000000xf32, #tpu.memory_space<hbm>>
    %dma_start3A_680 = arith.constant 0 : i32
    %dma_start3A_681 = tpu.memref_slice %dma_start3A_679[%dma_start3A_680] : memref<1000000xf32, #tpu.memory_space<hbm>> -> memref<1000000xf32, #tpu.memory_space<hbm>>
    tpu.enqueue_indirect_dma source(%dma_start3A_681 : memref<1000000xf32, #tpu.memory_space<hbm>>) target(%arg6 : memref<13312xf32, #tpu.memory_space<vmem>>) offsets(%arg5 : memref<13312xi32, #tpu.memory_space<vmem>>) semaphore(%arg8 : memref<!tpu.dma_semaphore, #tpu.memory_space<semaphore_mem>>)
    %dma_wait3A_682 = arith.constant 0 : i32
    %dma_wait3A_683 = arith.constant 0 : i32
    %dma_wait3A_684 = tpu.memref_slice %arg3[%dma_wait3A_682, %dma_wait3A_683] : memref<1x1000000xf32, #tpu.memory_space<hbm>> -> memref<1x1000000xf32, #tpu.memory_space<hbm>>
    %dma_wait3A_685 = tpu.memref_squeeze %dma_wait3A_684 : memref<1x1000000xf32, #tpu.memory_space<hbm>> -> memref<1000000xf32, #tpu.memory_space<hbm>>
    %dma_wait3A_686 = arith.constant 0 : i32
    %dma_wait3A_687 = tpu.memref_slice %dma_wait3A_685[%dma_wait3A_686] : memref<1000000xf32, #tpu.memory_space<hbm>> -> memref<1000000xf32, #tpu.memory_space<hbm>>
    tpu.wait_indirect_dma semaphore(%arg8 : memref<!tpu.dma_semaphore, #tpu.memory_space<semaphore_mem>>) src(%dma_wait3A_687 : memref<1000000xf32, #tpu.memory_space<hbm>>) dst(%arg6 : memref<13312xf32, #tpu.memory_space<vmem>>)
    %scan3A = arith.constant 0 : i32
    %scan3A_688 = arith.constant 0 : i32
    %scan3A_689 = arith.constant 32 : i32
    %scan3A_690 = arith.addi %scan3A_688, %scan3A_689 : i32
    %scan3A_691 = arith.constant 1 : i32
    scf.for %scan3A_693 = %scan3A_688 to %scan3A_690 step %scan3A_691  : i32 {
      %mul3A_694 = arith.constant 16 : i32
      %mul3A_695 = arith.muli %scan3A_693, %mul3A_694 : i32
      %multiple_of3A_696 = tpu.assume_multiple %mul3A_695, 16 : i32
      %get3A = arith.index_cast %multiple_of3A_696 : i32 to index
      %get3A_697 = tpu.vector_load %arg6[%get3A] {strides = array<i32>} : memref<13312xf32, #tpu.memory_space<vmem>>, vector<16xf32>,
      %add3A_698 = arith.constant 512 : i32
      %add3A_699 = arith.addi %multiple_of3A_696, %add3A_698 : i32
      %get3A_700 = arith.index_cast %add3A_699 : i32 to index
      %get3A_701 = tpu.vector_load %arg6[%get3A_700] {strides = array<i32>} : memref<13312xf32, #tpu.memory_space<vmem>>, vector<16xf32>,
      %add3A_702 = arith.constant 1024 : i32
      %add3A_703 = arith.addi %multiple_of3A_696, %add3A_702 : i32
      %get3A_704 = arith.index_cast %add3A_703 : i32 to index
      %get3A_705 = tpu.vector_load %arg6[%get3A_704] {strides = array<i32>} : memref<13312xf32, #tpu.memory_space<vmem>>, vector<16xf32>,
      %add3A_706 = arith.addf %get3A_697, %get3A_705 : vector<16xf32>
      %add3A_707 = arith.constant 1536 : i32
      %add3A_708 = arith.addi %multiple_of3A_696, %add3A_707 : i32
      %get3A_709 = arith.index_cast %add3A_708 : i32 to index
      %get3A_710 = tpu.vector_load %arg6[%get3A_709] {strides = array<i32>} : memref<13312xf32, #tpu.memory_space<vmem>>, vector<16xf32>,
      %add3A_711 = arith.addf %get3A_701, %get3A_710 : vector<16xf32>
      %add3A_712 = arith.constant 2048 : i32
      %add3A_713 = arith.addi %multiple_of3A_696, %add3A_712 : i32
      %get3A_714 = arith.index_cast %add3A_713 : i32 to index
      %get3A_715 = tpu.vector_load %arg6[%get3A_714] {strides = array<i32>} : memref<13312xf32, #tpu.memory_space<vmem>>, vector<16xf32>,
      %add3A_716 = arith.addf %add3A_706, %get3A_715 : vector<16xf32>
      %add3A_717 = arith.constant 2560 : i32
      %add3A_718 = arith.addi %multiple_of3A_696, %add3A_717 : i32
      %get3A_719 = arith.index_cast %add3A_718 : i32 to index
      %get3A_720 = tpu.vector_load %arg6[%get3A_719] {strides = array<i32>} : memref<13312xf32, #tpu.memory_space<vmem>>, vector<16xf32>,
      %add3A_721 = arith.addf %add3A_711, %get3A_720 : vector<16xf32>
      %add3A_722 = arith.constant 3072 : i32
      %add3A_723 = arith.addi %multiple_of3A_696, %add3A_722 : i32
      %get3A_724 = arith.index_cast %add3A_723 : i32 to index
      %get3A_725 = tpu.vector_load %arg6[%get3A_724] {strides = array<i32>} : memref<13312xf32, #tpu.memory_space<vmem>>, vector<16xf32>,
      %add3A_726 = arith.addf %add3A_716, %get3A_725 : vector<16xf32>
      %add3A_727 = arith.constant 3584 : i32
      %add3A_728 = arith.addi %multiple_of3A_696, %add3A_727 : i32
      %get3A_729 = arith.index_cast %add3A_728 : i32 to index
      %get3A_730 = tpu.vector_load %arg6[%get3A_729] {strides = array<i32>} : memref<13312xf32, #tpu.memory_space<vmem>>, vector<16xf32>,
      %add3A_731 = arith.addf %add3A_721, %get3A_730 : vector<16xf32>
      %add3A_732 = arith.constant 4096 : i32
      %add3A_733 = arith.addi %multiple_of3A_696, %add3A_732 : i32
      %get3A_734 = arith.index_cast %add3A_733 : i32 to index
      %get3A_735 = tpu.vector_load %arg6[%get3A_734] {strides = array<i32>} : memref<13312xf32, #tpu.memory_space<vmem>>, vector<16xf32>,
      %add3A_736 = arith.addf %add3A_726, %get3A_735 : vector<16xf32>
      %add3A_737 = arith.constant 4608 : i32
      %add3A_738 = arith.addi %multiple_of3A_696, %add3A_737 : i32
      %get3A_739 = arith.index_cast %add3A_738 : i32 to index
      %get3A_740 = tpu.vector_load %arg6[%get3A_739] {strides = array<i32>} : memref<13312xf32, #tpu.memory_space<vmem>>, vector<16xf32>,
      %add3A_741 = arith.addf %add3A_731, %get3A_740 : vector<16xf32>
      %add3A_742 = arith.constant 5120 : i32
      %add3A_743 = arith.addi %multiple_of3A_696, %add3A_742 : i32
      %get3A_744 = arith.index_cast %add3A_743 : i32 to index
      %get3A_745 = tpu.vector_load %arg6[%get3A_744] {strides = array<i32>} : memref<13312xf32, #tpu.memory_space<vmem>>, vector<16xf32>,
      %add3A_746 = arith.addf %add3A_736, %get3A_745 : vector<16xf32>
      %add3A_747 = arith.constant 5632 : i32
      %add3A_748 = arith.addi %multiple_of3A_696, %add3A_747 : i32
      %get3A_749 = arith.index_cast %add3A_748 : i32 to index
      %get3A_750 = tpu.vector_load %arg6[%get3A_749] {strides = array<i32>} : memref<13312xf32, #tpu.memory_space<vmem>>, vector<16xf32>,
      %add3A_751 = arith.addf %add3A_741, %get3A_750 : vector<16xf32>
      %add3A_752 = arith.constant 6144 : i32
      %add3A_753 = arith.addi %multiple_of3A_696, %add3A_752 : i32
      %get3A_754 = arith.index_cast %add3A_753 : i32 to index
      %get3A_755 = tpu.vector_load %arg6[%get3A_754] {strides = array<i32>} : memref<13312xf32, #tpu.memory_space<vmem>>, vector<16xf32>,
      %add3A_756 = arith.addf %add3A_746, %get3A_755 : vector<16xf32>
      %add3A_757 = arith.constant 6656 : i32
      %add3A_758 = arith.addi %multiple_of3A_696, %add3A_757 : i32
      %get3A_759 = arith.index_cast %add3A_758 : i32 to index
      %get3A_760 = tpu.vector_load %arg6[%get3A_759] {strides = array<i32>} : memref<13312xf32, #tpu.memory_space<vmem>>, vector<16xf32>,
      %add3A_761 = arith.addf %add3A_751, %get3A_760 : vector<16xf32>
      %add3A_762 = arith.constant 7168 : i32
      %add3A_763 = arith.addi %multiple_of3A_696, %add3A_762 : i32
      %get3A_764 = arith.index_cast %add3A_763 : i32 to index
      %get3A_765 = tpu.vector_load %arg6[%get3A_764] {strides = array<i32>} : memref<13312xf32, #tpu.memory_space<vmem>>, vector<16xf32>,
      %add3A_766 = arith.addf %add3A_756, %get3A_765 : vector<16xf32>
      %add3A_767 = arith.constant 7680 : i32
      %add3A_768 = arith.addi %multiple_of3A_696, %add3A_767 : i32
      %get3A_769 = arith.index_cast %add3A_768 : i32 to index
      %get3A_770 = tpu.vector_load %arg6[%get3A_769] {strides = array<i32>} : memref<13312xf32, #tpu.memory_space<vmem>>, vector<16xf32>,
      %add3A_771 = arith.addf %add3A_761, %get3A_770 : vector<16xf32>
      %add3A_772 = arith.constant 8192 : i32
      %add3A_773 = arith.addi %multiple_of3A_696, %add3A_772 : i32
      %get3A_774 = arith.index_cast %add3A_773 : i32 to index
      %get3A_775 = tpu.vector_load %arg6[%get3A_774] {strides = array<i32>} : memref<13312xf32, #tpu.memory_space<vmem>>, vector<16xf32>,
      %add3A_776 = arith.addf %add3A_766, %get3A_775 : vector<16xf32>
      %add3A_777 = arith.constant 8704 : i32
      %add3A_778 = arith.addi %multiple_of3A_696, %add3A_777 : i32
      %get3A_779 = arith.index_cast %add3A_778 : i32 to index
      %get3A_780 = tpu.vector_load %arg6[%get3A_779] {strides = array<i32>} : memref<13312xf32, #tpu.memory_space<vmem>>, vector<16xf32>,
      %add3A_781 = arith.addf %add3A_771, %get3A_780 : vector<16xf32>
      %add3A_782 = arith.constant 9216 : i32
      %add3A_783 = arith.addi %multiple_of3A_696, %add3A_782 : i32
      %get3A_784 = arith.index_cast %add3A_783 : i32 to index
      %get3A_785 = tpu.vector_load %arg6[%get3A_784] {strides = array<i32>} : memref<13312xf32, #tpu.memory_space<vmem>>, vector<16xf32>,
      %add3A_786 = arith.addf %add3A_776, %get3A_785 : vector<16xf32>
      %add3A_787 = arith.constant 9728 : i32
      %add3A_788 = arith.addi %multiple_of3A_696, %add3A_787 : i32
      %get3A_789 = arith.index_cast %add3A_788 : i32 to index
      %get3A_790 = tpu.vector_load %arg6[%get3A_789] {strides = array<i32>} : memref<13312xf32, #tpu.memory_space<vmem>>, vector<16xf32>,
      %add3A_791 = arith.addf %add3A_781, %get3A_790 : vector<16xf32>
      %add3A_792 = arith.constant 10240 : i32
      %add3A_793 = arith.addi %multiple_of3A_696, %add3A_792 : i32
      %get3A_794 = arith.index_cast %add3A_793 : i32 to index
      %get3A_795 = tpu.vector_load %arg6[%get3A_794] {strides = array<i32>} : memref<13312xf32, #tpu.memory_space<vmem>>, vector<16xf32>,
      %add3A_796 = arith.addf %add3A_786, %get3A_795 : vector<16xf32>
      %add3A_797 = arith.constant 10752 : i32
      %add3A_798 = arith.addi %multiple_of3A_696, %add3A_797 : i32
      %get3A_799 = arith.index_cast %add3A_798 : i32 to index
      %get3A_800 = tpu.vector_load %arg6[%get3A_799] {strides = array<i32>} : memref<13312xf32, #tpu.memory_space<vmem>>, vector<16xf32>,
      %add3A_801 = arith.addf %add3A_791, %get3A_800 : vector<16xf32>
      %add3A_802 = arith.constant 11264 : i32
      %add3A_803 = arith.addi %multiple_of3A_696, %add3A_802 : i32
      %get3A_804 = arith.index_cast %add3A_803 : i32 to index
      %get3A_805 = tpu.vector_load %arg6[%get3A_804] {strides = array<i32>} : memref<13312xf32, #tpu.memory_space<vmem>>, vector<16xf32>,
      %add3A_806 = arith.addf %add3A_796, %get3A_805 : vector<16xf32>
      %add3A_807 = arith.constant 11776 : i32
      %add3A_808 = arith.addi %multiple_of3A_696, %add3A_807 : i32
      %get3A_809 = arith.index_cast %add3A_808 : i32 to index
      %get3A_810 = tpu.vector_load %arg6[%get3A_809] {strides = array<i32>} : memref<13312xf32, #tpu.memory_space<vmem>>, vector<16xf32>,
      %add3A_811 = arith.addf %add3A_801, %get3A_810 : vector<16xf32>
      %add3A_812 = arith.constant 12288 : i32
      %add3A_813 = arith.addi %multiple_of3A_696, %add3A_812 : i32
      %get3A_814 = arith.index_cast %add3A_813 : i32 to index
      %get3A_815 = tpu.vector_load %arg6[%get3A_814] {strides = array<i32>} : memref<13312xf32, #tpu.memory_space<vmem>>, vector<16xf32>,
      %add3A_816 = arith.addf %add3A_806, %get3A_815 : vector<16xf32>
      %add3A_817 = arith.constant 12800 : i32
      %add3A_818 = arith.addi %multiple_of3A_696, %add3A_817 : i32
      %get3A_819 = arith.index_cast %add3A_818 : i32 to index
      %get3A_820 = tpu.vector_load %arg6[%get3A_819] {strides = array<i32>} : memref<13312xf32, #tpu.memory_space<vmem>>, vector<16xf32>,
      %add3A_821 = arith.addf %add3A_811, %get3A_820 : vector<16xf32>
      %add3A_822 = arith.addf %add3A_816, %add3A_821 : vector<16xf32>
      %neg3A = arith.constant 0.000000e+00 : f32
      %neg3A_823 = vector.broadcast %neg3A : f32 to vector<16xf32>
      %neg3A_824 = arith.subf %neg3A_823, %add3A_822 : vector<16xf32>
      %exp3A = math.exp %neg3A_824 : vector<16xf32>
      %add3A_825 = arith.constant 1.000000e+00 : f32
      %add3A_826 = vector.broadcast %add3A_825 : f32 to vector<16xf32>
      %add3A_827 = arith.addf %add3A_826, %exp3A : vector<16xf32>
      %div3A = arith.constant 1.000000e+00 : f32
      %div3A_828 = vector.broadcast %div3A : f32 to vector<16xf32>
      %div3A_829 = arith.divf %div3A_828, %add3A_827 : vector<16xf32>
      %swap3A = arith.index_cast %multiple_of3A_696 : i32 to index
      %swap3A_830 = tpu.vector_load %arg7[%swap3A] {strides = array<i32>} : memref<512xf32, #tpu.memory_space<vmem>>, vector<16xf32>,
      tpu.vector_store %arg7[%swap3A], %div3A_829 {strides = array<i32>} : memref<512xf32, #tpu.memory_space<vmem>>, vector<16xf32>,
    }
    %scan3A_692 = arith.constant 32 : i32
    "tpu.region"() ({
      %run_scoped3A = tpu.sem_alloc : memref<!tpu.dma_semaphore, #tpu.memory_space<semaphore_mem>>
      %dma_start3A_693 = tpu.memref_slice %arg4[%mul3A_2] : memref<16384xf32, #tpu.memory_space<hbm>> -> memref<512xf32, #tpu.memory_space<hbm>>
      %dma_start3A_694 = tpu.memref_slice %arg4[%mul3A_2] : memref<16384xf32, #tpu.memory_space<hbm>> -> memref<512xf32, #tpu.memory_space<hbm>>
      tpu.enqueue_dma source(%arg7 : memref<512xf32, #tpu.memory_space<vmem>>) target(%dma_start3A_694 : memref<512xf32, #tpu.memory_space<hbm>>) target_semaphore(%run_scoped3A : memref<!tpu.dma_semaphore, #tpu.memory_space<semaphore_mem>>)
      %dma_wait3A_695 = tpu.memref_slice %arg4[%mul3A_2] : memref<16384xf32, #tpu.memory_space<hbm>> -> memref<512xf32, #tpu.memory_space<hbm>>
      %dma_wait3A_696 = tpu.memref_slice %arg4[%mul3A_2] : memref<16384xf32, #tpu.memory_space<hbm>> -> memref<512xf32, #tpu.memory_space<hbm>>
      tpu.wait_dma2 semaphore(%run_scoped3A : memref<!tpu.dma_semaphore, #tpu.memory_space<semaphore_mem>>) src(%arg7 : memref<512xf32, #tpu.memory_space<vmem>>) dst(%dma_wait3A_696 : memref<512xf32, #tpu.memory_space<hbm>>)
      tpu.yield
    }) : () -> ()
    return
  }
}

</mosaic_0001>

<sc_bundles>
// kernel: kernel.3.cloned.1.call-start
scs
__scs_entry_jumppad:
0x0: {  	(pc) =	sbr.rel $0x88, $3  }
0x1: {  	(tag) =	ssettag $0x0;
	lr =	simm.s32 $0x1  }
0x2: {  	[smem:$0x3F9F] =	sst lr;
	_ =	strace $0xD0000000  }
0x3: {  	_ = 	snop  }
0x4: {  	_ = 	snop  }
0x5: {  	_ = 	snop  }
0x6: {  	_ = 	snop  }
0x7: {  	_ = 	snop  }
__scs_overlays_trampoline_lowered:
0x8: {  	[smem:$0x3FAE] =	sst s0  }
0x9: {  	[smem:$0x3FAF] =	sst s1  }
0xa: {  	[smem:$0x3FB0] =	sst s2  }
0xb: {  	[smem:$0x3FB1] =	sst s3  }
0xc: {  	[smem:$0x3FB2] =	sst s4  }
0xd: {  	[smem:$0x3FB3] =	sst s5  }
0xe: {  	[smem:$0x3FB4] =	sst s6  }
0xf: {  	[smem:$0x3FB5] =	sst s7  }
0x10: {  	[smem:$0x3FB6] =	sst s8  }
0x11: {  	[smem:$0x3FB7] =	sst s9;
	s0 =	simm.s32 @!p0 $0x0  }
0x12: {  	s1 =	sld [smem:$0x3F9D];
	s0 =	simm.s32 @p0 $0x1  }
0x13: {  	[smem:$0x3FB8] =	sst s0;
	s0 =	simm.s32 @!p1 $0x0  }
0x14: {  	s2 =	sld [smem:$0x3F9C];
	s0 =	simm.s32 @p1 $0x1  }
0x15: {  	[smem:$0x3FB9] =	sst s0;
	s0 =	simm.s32 @!p2 $0x0  }
0x16: {  	s3 =	sld [smem:$0x3FDB];
	s0 =	simm.s32 @p2 $0x1  }
0x17: {  	s4 =	simm.s32 $0x1BF5;
	[smem:$0x3FBB] =	sst s0  }
0x18: {  	s0 =	sld [smem:$0x3F9E];
	_ =	swait.ge [sflag:s4], $0x0  }
0x19: {  	s7 =	sld [smem:$0x3F9F]  }
0x1a: {  	s8 =	sadd.s32 $0xFFFFE003, lr  }
0x1b: {  	s9 =	sadd.s32 $0xFFFFFEF7, lr;
	s5 =	simm.s32 $0xFFFFFFFF;
	p2 =	slt.u32 s8, $0xFFFFF086  }
0x1c: {  	p1 =	slt.u32 s9, $0xF7A;
	s5 =	simm.s32 @!p2 $0x0  }
0x1d: {  	s5 =	simm.s32 @p1 $0x1;
	p0 =	seq.s32 s7, s2  }
0x1e: {  	s7 =	smul.u32 @!p0 $0xF7A, s2;
	p2 =	seq.s32 @!p0 s5, $0x0  }
0x1f: {  	s9 =	smul.u32 $0xF7A, s1;
	s8 =	simm.s32 @!p0 $0x1BF5;
	p2 =	por !p2, p0  }
0x20: {  	[sflag:s8] =	ssyncset.s32 @!p0 $0xFFFFF086;
	s6 =	sadd.s32 @!p0 s3, s7;
	s7 =	simm.s32 @!p0 $0x108  }
0x21: {  	s3 =	sadd.s32 s3, s9;
	s6 =	sadd.s32 @!p0 $0x88, s6;
	s7 =	simm.s32 @p2 $0x1082  }
0x22: {  	[simem:s7], [sflag:s8] =	dma.local @!p0 [hbm:s6], $0xF7A  }
0x23: {  	s9 =	sor.u32 $0xD0000000, s2;
	s6 =	simm.s32 $0x108;
	_ =	swait.ge @!p0 [sflag:s8], $0x0  }
0x24: {  	s3 =	sadd.s32 $0x88, s3;
	s6 =	simm.s32 @!p1 $0x1082;
	[sflag:s4] =	ssyncset.s32 $0xFFFFF086  }
0x25: {  	[simem:s6], [sflag:s4] =	dma.local [hbm:s3], $0xF7A  }
0x26: {  	[smem:$0x3F9F] =	sst s1;
	(tag) =	ssettag s2;
	_ =	strace s9  }
0x27: {  	s1 =	sld [smem:$0x3FAF]  }
0x28: {  	s2 =	sld [smem:$0x3FB0]  }
0x29: {  	s4 =	sld [smem:$0x3FB2]  }
0x2a: {  	p0 =	seq.s32 s5, $0x0;
	s5 =	sld [smem:$0x3FB3]  }
0x2b: {  	s6 =	sld [smem:$0x3FB4]  }
0x2c: {  	s7 =	sld [smem:$0x3FB5]  }
0x2d: {  	s3 =	simm.s32 $0x108;
	s8 =	sld [smem:$0x3FB6]  }
0x2e: {  	s3 =	simm.s32 @!p0 $0x1082;
	s9 =	sld [smem:$0x3FB7]  }
0x2f: {  	lr =	sadd.s32 s0, s3;
	s0 =	sld [smem:$0x3FAE]  }
0x30: {  	s3 =	sld [smem:$0x3FB1]  }
0x31: {  	[smem:$0x3FBA] =	sst s10  }
0x32: {  	s10 =	sld [smem:$0x3FB8];
	_ =	sdelay $0x3  }
0x33: {  	p0 =	seq.s32 s10, $0x1;
	s10 =	sld [smem:$0x3FBA];
	_ =	sdelay $0x3  }
0x34: {  	[smem:$0x3FBA] =	sst s10  }
0x35: {  	s10 =	sld [smem:$0x3FB9];
	_ =	sdelay $0x3  }
0x36: {  	p1 =	seq.s32 s10, $0x1;
	s10 =	sld [smem:$0x3FBA];
	_ =	sdelay $0x3  }
0x37: {  	[smem:$0x3FBA] =	sst s10  }
0x38: {  	s10 =	sld [smem:$0x3FBB]  }
0x39: {  	_ = 	snop;
	(pc) =	sbr.ind lr, $3  }
0x3a: {  	_ = 	snop  }
0x3b: {  	_ = 	snop  }
0x3c: {  	p2 =	seq.s32 s10, $0x1;
	s10 =	sld [smem:$0x3FBA]  }
0x3d: {  	_ =	shalt  }
0x3e: {  	_ =	shalt  }
0x3f: {  	_ =	shalt  }
0x40: {  	_ =	shalt  }
0x41: {  	_ =	shalt  }
0x42: {  	_ =	shalt  }
0x43: {  	_ =	shalt  }
0x44: {  	_ =	shalt  }
0x45: {  	_ =	shalt  }
0x46: {  	_ =	shalt  }
0x47: {  	_ =	shalt  }
0x48: {  	_ =	shalt  }
0x49: {  	_ =	shalt  }
0x4a: {  	_ =	shalt  }
0x4b: {  	_ =	shalt  }
0x4c: {  	_ =	shalt  }
0x4d: {  	_ =	shalt  }
0x4e: {  	_ =	shalt  }
0x4f: {  	_ =	shalt  }
0x50: {  	_ =	shalt  }
0x51: {  	_ =	shalt  }
0x52: {  	_ =	shalt  }
0x53: {  	_ =	shalt  }
0x54: {  	_ =	shalt  }
0x55: {  	_ =	shalt  }
0x56: {  	_ =	shalt  }
0x57: {  	_ =	shalt  }
0x58: {  	_ =	shalt  }
0x59: {  	_ =	shalt  }
0x5a: {  	_ =	shalt  }
0x5b: {  	_ =	shalt  }
0x5c: {  	_ =	shalt  }
0x5d: {  	_ =	shalt  }
0x5e: {  	_ =	shalt  }
0x5f: {  	_ =	shalt  }
0x60: {  	_ =	shalt  }
0x61: {  	_ =	shalt  }
0x62: {  	_ =	shalt  }
0x63: {  	_ =	shalt  }
0x64: {  	_ =	shalt  }
0x65: {  	_ =	shalt  }
0x66: {  	_ =	shalt  }
0x67: {  	_ =	shalt  }
0x68: {  	_ =	shalt  }
0x69: {  	_ =	shalt  }
0x6a: {  	_ =	shalt  }
0x6b: {  	_ =	shalt  }
0x6c: {  	_ =	shalt  }
0x6d: {  	_ =	shalt  }
0x6e: {  	_ =	shalt  }
0x6f: {  	_ =	shalt  }
0x70: {  	_ =	shalt  }
0x71: {  	_ =	shalt  }
0x72: {  	_ =	shalt  }
0x73: {  	_ =	shalt  }
0x74: {  	_ =	shalt  }
0x75: {  	_ =	shalt  }
0x76: {  	_ =	shalt  }
0x77: {  	_ =	shalt  }
0x78: {  	_ =	shalt  }
0x79: {  	_ =	shalt  }
0x7a: {  	_ =	shalt  }
0x7b: {  	_ =	shalt  }
0x7c: {  	_ =	shalt  }
0x7d: {  	_ =	shalt  }
0x7e: {  	_ =	shalt  }
0x7f: {  	_ =	shalt  }
0x80: {  	_ =	shalt  }
0x81: {  	_ =	shalt  }
0x82: {  	_ =	shalt  }
0x83: {  	_ =	shalt  }
0x84: {  	_ =	shalt  }
0x85: {  	_ =	shalt  }
0x86: {  	_ =	shalt  }
0x87: {  	_ =	shalt  }
.Lfunc_end0:
.L_simem_size_0:
called_computation_lowered:
.L_overlay_start_0:
0x88: {  	s2 =	sld [smem:$0x3FD9]  }
0x89: {  	s3 =	sld [smem:$0x3FFE];
	_ =	sdelay $0x1  }
0x8a: {  	s1 =	srdreg.scid  }
0x8b: {  	s0 =	sand.u32 $0x1, s1  }
0x8c: {  	s18 =	sshll.u32 s0, $0xA;
	s2 =	sadd.s32 s3, s2  }
0x8d: {  	s2 =	sadd.s32 s2, s18  }
0x8e: {  	[smem:$0x3FC6] =	sst s2  }
0x8f: {  	_ = 	snop  }
0x90: {  	s2 =	sld [smem:$0x3FC9]  }
0x91: {  	s19 =	sld [smem:$0x3FC8]  }
0x92: {  	s4 =	sld [smem:$0x3FD0];
	(tm) =	ssettm $0x1  }
0x93: {  	s5 =	sld [smem:$0x3FFB];
	_ =	sdelay $0x3  }
0x94: {  	_ =	strace s5  }
0x95: {  	s5 =	sld [smem:$0x3FFC];
	_ =	sdelay $0x3  }
0x96: {  	_ =	strace s5  }
0x97: {  	s5 =	sld [smem:$0x3FFD];
	_ =	sdelay $0x3  }
0x98: {  	_ =	strace s5  }
0x99: {  	_ =	strace $0x8FFFFFFF  }
0x9a: {  	s20 =	sld [smem:$0x3FDB];
	_ =	sdelay $0x1  }
0x9b: {  	s6 =	simm.s32 $_scs_section_size  }
0x9c: {  	s7 =	simm.s32 $_size__tile_overlayer_lowered;
	s8 =	simm.s32 $_tile_overlayer_lowered  }
0x9d: {  	s23 =	simm.s32 $0x1BFF;
	s22 =	sshll.u32 s8, $0x1;
	s5 =	sadd.s32 s6, s20  }
0x9e: {  	s9 =	simm.s32 $0x0;
	s21 =	sshll.u32 s7, $0x1;
	s7 =	sadd.s32 s22, s5  }
0x9f: {  	[timem:s9], [sflag:s23] =	dma.local [hbm:s7], s21  }
0xa0: {  	_ =	swait.ge [sflag:s23], s21  }
0xa1: {  	s6 =	ssub.s32 $0x0, s21;
	[sflag:s23] =	ssyncset.done $0x0  }
0xa2: {  	[sflag:s23] =	ssyncadd.s32 s6;
	_ =	sdelay $0x1  }
0xa3: {  	s24 =	simm.s32 $0x1B8B  }
0xa4: {  	_ =	swait.ge [sflag:s24], $0x1  }
0xa5: {  	[sflag:s24] =	ssyncset.done $0x0  }
0xa6: {  	s25 =	simm.s32 $0x1B8E;
	[sflag:s24] =	ssyncadd.s32 $0xFFFFFFFF  }
0xa7: {  	s26 =	simm.s32 $execute0_lowered;
	[smem:$0x3FD2] =	sst s25  }
0xa8: {  	s6 =	sshll.u32 s26, $0x1;
	_ =	strace $0x80000046;
	[dreg:$0x1] =	wrdreg $0xFFFFFFFF  }
0xa9: {  	s28 =	simm.s32 $_size_execute0_lowered;
	s5 =	sadd.s32 s5, s6;
	[dreg:$0x0] =	wrdreg $0x0  }
0xaa: {  	s6 =	sshll.u32 s28, $0x1;
	[dreg:$0x2] =	wrdreg s5  }
0xab: {  	[dreg:$0x3] =	wrdreg s6  }
0xac: {  	[dreg:$0x4] =	wrdreg $0xC0  }
0xad: {  	_ =	task [dreg:s9], $0x5FFFF  }
0xae: {  	[dreg:$0x1] =	wrdreg $0xFFFFFFFF  }
0xaf: {  	[dreg:$0x0] =	wrdreg $0x60  }
0xb0: {  	[dreg:$0x2] =	wrdreg s2  }
0xb1: {  	[dreg:$0x3] =	wrdreg s19  }
0xb2: {  	[dreg:$0x4] =	wrdreg s4  }
0xb3: {  	[dreg:$0x5] =	wrdreg $0x9  }
0xb4: {  	_ =	task.clear_ibuf [dreg:s9], $0x6FFFF;
	_ =	strace $0x90000046  }
0xb5: {  	s29 =	simm.s32 $0x9;
	_ =	strace $0x80000048  }
0xb6: {  	_ =	swait.ge [sflag:s29], $0x1  }
0xb7: {  	[sflag:s29] =	ssyncadd.s32 $0xFFFFFFFF  }
0xb8: {  	_ =	strace $0x90000048  }
0xb9: {  	_ =	sfence  }
0xba: {  	s30 =	sld [smem:$0x0];
	_ =	sdelay $0x2  }
0xbb: {  	s31 =	sshll.u32 s1, $0xD;
	s1 =	sshrl.u32 s1, $0x2  }
0xbc: {  	s3 =	sand.u32 $0x4000, s31;
	s1 =	sadd.s32 s1, s30  }
0xbd: {  	s0 =	sor.u32 s3, s0;
	s1 =	sshll.u32 s1, $0x11  }
0xbe: {  	s0 =	sor.u32 s1, s0  }
0xbf: {  	s0 =	sadd.s32 $0x8F2B, s0  }
0xc0: {  	[sflag:s0] =	ssyncadd.remote.s32 $0x1  }
0xc1: {  	_ =	sfence.sel $0xFFFF  }
0xc2: {  	[dreg:$0x0] =	wrdreg $0xFFFFFFFF;
	(pc) =	sbr.abs _section_cstart, $3  }
0xc3: {  	[dreg:$0x1] =	wrdreg $0xFFFFFFFF  }
0xc4: {  	_ =	task.clear_ibuf [dreg:s9], $0x2FFFF;
	_ =	strace $0x9FFFFFFF  }
0xc5: {  	(tm) =	ssettm $0x7FFFFFFF  }
tec
execute0_lowered:
.L_overlay_start_1:
0x0: {  	(tag) =	ssettag $0x1  }
0x1: {  	s0 =	rddreg [dreg:$0x0]  }
0x2: {  	s1 =	srdreg.scid;
	s2 =	rddreg [dreg:$0x2]  }
0x3: {  	s3 =	stileid.u32;
	s7 =	simm.s32 $0x2;
	s8 =	simm.s32 $0x0  }
0x4: {  	s1 =	sand.u32 $0x1, s1;
	s4 =	sshll.u32 s3, $0xA;
	s3 =	simm.s32 $0x0  }
0x5: {  	s5 =	sshll.u32 s1, $0x9;
	s1 =	ssub.s32 $0x2, s1;
	[smem:$0x7FF] =	sst s3  }
0x6: {  	s5 =	sor.u32 s5, s4;
	s6 =	sshrl.u32 s1, $0x1;
	_ =	strace $0x80000047  }
0x7: {  	s4 =	sadd.s32 s0, s5;
	s12 =	ssub.s32 s1, s6;
	s26 =	sshrl.u32 s5, $0x3  }
0x8: {  	s1 =	simm.s32 $0x80;
	s5 =	simm.s32 $0x1;
	s6 =	simm.s32 $0x6800  }
0x9: {  	s18 =	sadd.s32 $0x10, s4;
	s19 =	sadd.s32 $0x20, s4;
	s20 =	sadd.s32 $0x30, s4  }
0xa: {  	s21 =	sadd.s32 $0x40, s4;
	s22 =	sadd.s32 $0x50, s4;
	[dreg:$0x4] =	wrdreg s18  }
0xb: {  	s23 =	sadd.s32 $0x60, s4;
	s24 =	sadd.s32 $0x70, s4;
	[dreg:$0x5] =	wrdreg s19  }
0xc: {  	s25 =	sadd.s32 $0x4000, s4;
	s13 =	sadd.s32 $0x4010, s4;
	[dreg:$0x6] =	wrdreg s20  }
0xd: {  	s14 =	sadd.s32 $0x4020, s4;
	s15 =	sadd.s32 $0x4030, s4;
	[dreg:$0x7] =	wrdreg s21  }
0xe: {  	s16 =	sadd.s32 $0x4040, s4;
	s17 =	sadd.s32 $0x4050, s4;
	[dreg:$0x8] =	wrdreg s22  }
0xf: {  	s28 =	sadd.s32 $0x8050, s4;
	s29 =	sadd.s32 $0x8060, s4;
	[dreg:$0x9] =	wrdreg s23  }
0x10: {  	s30 =	sadd.s32 $0x8070, s4;
	s31 =	sadd.s32 $0xC000, s4;
	[dreg:$0xa] =	wrdreg s24  }
0x11: {  	s0 =	sadd.s32 $0xC010, s4;
	[dreg:$0xb] =	wrdreg s25;
	s18 =	sadd.s32 $0x4060, s4  }
0x12: {  	s19 =	sadd.s32 $0x4070, s4;
	s20 =	sadd.s32 $0x8000, s4;
	s21 =	sadd.s32 $0x8010, s4  }
0x13: {  	s22 =	sadd.s32 $0x8020, s4;
	s23 =	sadd.s32 s2, s26;
	s24 =	sadd.s32 $0x8030, s4  }
0x14: {  	s25 =	smax.u32 s12, $0x1;
	s26 =	sadd.s32 $0x8040, s4;
	s2 =	simm.s32 $0x400  }
.LBB2_1:
0x15: {  	[tilespmem:s3], [sflag:$0x1] =	stream.strided.gather [hbm4b:s4+s1], $0x200, s2, s1, $0x38;
	[tilespmem:$0x6A00] =	vst v63  }
0x16: {  	s9 =	rddreg [dreg:$0x4];
	s10 =	simm.s32 $0x200  }
0x17: {  	[tilespmem:s10], [sflag:$0x1] =	stream.strided.gather [hbm4b:s9+s1], $0x200, s2, s1, $0x38;
	[tilespmem:$0x6A00] =	vst v63  }
0x18: {  	s10 =	rddreg [dreg:$0x5]  }
0x19: {  	[tilespmem:s2], [sflag:$0x1] =	stream.strided.gather [hbm4b:s10+s1], $0x200, s2, s1, $0x38;
	[tilespmem:$0x6A00] =	vst v63  }
0x1a: {  	s11 =	rddreg [dreg:$0x6];
	s12 =	simm.s32 $0x600  }
0x1b: {  	[tilespmem:s12], [sflag:$0x1] =	stream.strided.gather [hbm4b:s11+s1], $0x200, s2, s1, $0x38;
	[tilespmem:$0x6A00] =	vst v63  }
0x1c: {  	s11 =	rddreg [dreg:$0x7];
	s12 =	simm.s32 $0x800  }
0x1d: {  	[tilespmem:s12], [sflag:$0x1] =	stream.strided.gather [hbm4b:s11+s1], $0x200, s2, s1, $0x38;
	[tilespmem:$0x6A00] =	vst v63  }
0x1e: {  	s11 =	rddreg [dreg:$0x8];
	s12 =	simm.s32 $0xA00  }
0x1f: {  	[tilespmem:s12], [sflag:$0x1] =	stream.strided.gather [hbm4b:s11+s1], $0x200, s2, s1, $0x38;
	[tilespmem:$0x6A00] =	vst v63  }
0x20: {  	s11 =	rddreg [dreg:$0x9];
	s12 =	simm.s32 $0xC00  }
0x21: {  	[tilespmem:s12], [sflag:$0x1] =	stream.strided.gather [hbm4b:s11+s1], $0x200, s2, s1, $0x38;
	[tilespmem:$0x6A00] =	vst v63  }
0x22: {  	s11 =	rddreg [dreg:$0xa];
	s12 =	simm.s32 $0xE00  }
0x23: {  	[tilespmem:s12], [sflag:$0x1] =	stream.strided.gather [hbm4b:s11+s1], $0x200, s2, s1, $0x38;
	[tilespmem:$0x6A00] =	vst v63  }
0x24: {  	s11 =	rddreg [dreg:$0xb];
	s12 =	simm.s32 $0x1000  }
0x25: {  	[tilespmem:s12], [sflag:$0x1] =	stream.strided.gather [hbm4b:s11+s1], $0x200, s2, s1, $0x38;
	[tilespmem:$0x6A00] =	vst v63  }
0x26: {  	s10 =	simm.s32 $0x1200  }
0x27: {  	[tilespmem:s10], [sflag:$0x1] =	stream.strided.gather [hbm4b:s13+s1], $0x200, s2, s1, $0x38;
	[tilespmem:$0x6A00] =	vst v63  }
0x28: {  	s11 =	simm.s32 $0x1400  }
0x29: {  	[tilespmem:s11], [sflag:$0x1] =	stream.strided.gather [hbm4b:s14+s1], $0x200, s2, s1, $0x38;
	[tilespmem:$0x6A00] =	vst v63  }
0x2a: {  	s12 =	simm.s32 $0x1600  }
0x2b: {  	[tilespmem:s12], [sflag:$0x1] =	stream.strided.gather [hbm4b:s15+s1], $0x200, s2, s1, $0x38;
	[tilespmem:$0x6A00] =	vst v63  }
0x2c: {  	s10 =	simm.s32 $0x1800  }
0x2d: {  	[tilespmem:s10], [sflag:$0x1] =	stream.strided.gather [hbm4b:s16+s1], $0x200, s2, s1, $0x38;
	[tilespmem:$0x6A00] =	vst v63  }
0x2e: {  	s11 =	simm.s32 $0x1A00  }
0x2f: {  	[tilespmem:s11], [sflag:$0x1] =	stream.strided.gather [hbm4b:s17+s1], $0x200, s2, s1, $0x38;
	[tilespmem:$0x6A00] =	vst v63  }
0x30: {  	s12 =	simm.s32 $0x1C00  }
0x31: {  	[tilespmem:s12], [sflag:$0x1] =	stream.strided.gather [hbm4b:s18+s1], $0x200, s2, s1, $0x38;
	[tilespmem:$0x6A00] =	vst v63  }
0x32: {  	s10 =	simm.s32 $0x1E00  }
0x33: {  	[tilespmem:s10], [sflag:$0x1] =	stream.strided.gather [hbm4b:s19+s1], $0x200, s2, s1, $0x38;
	[tilespmem:$0x6A00] =	vst v63  }
0x34: {  	s11 =	simm.s32 $0x2000  }
0x35: {  	[tilespmem:s11], [sflag:$0x1] =	stream.strided.gather [hbm4b:s20+s1], $0x200, s2, s1, $0x38;
	[tilespmem:$0x6A00] =	vst v63  }
0x36: {  	s12 =	simm.s32 $0x2200  }
0x37: {  	[tilespmem:s12], [sflag:$0x1] =	stream.strided.gather [hbm4b:s21+s1], $0x200, s2, s1, $0x38;
	[tilespmem:$0x6A00] =	vst v63  }
0x38: {  	s10 =	simm.s32 $0x2400  }
0x39: {  	[tilespmem:s10], [sflag:$0x1] =	stream.strided.gather [hbm4b:s22+s1], $0x200, s2, s1, $0x38;
	[tilespmem:$0x6A00] =	vst v63  }
0x3a: {  	s11 =	simm.s32 $0x2600  }
0x3b: {  	[tilespmem:s11], [sflag:$0x1] =	stream.strided.gather [hbm4b:s24+s1], $0x200, s2, s1, $0x38;
	[tilespmem:$0x6A00] =	vst v63  }
0x3c: {  	s12 =	simm.s32 $0x2800  }
0x3d: {  	[tilespmem:s12], [sflag:$0x1] =	stream.strided.gather [hbm4b:s26+s1], $0x200, s2, s1, $0x38;
	[tilespmem:$0x6A00] =	vst v63  }
0x3e: {  	s10 =	simm.s32 $0x2A00  }
0x3f: {  	[tilespmem:s10], [sflag:$0x1] =	stream.strided.gather [hbm4b:s28+s1], $0x200, s2, s1, $0x38;
	[tilespmem:$0x6A00] =	vst v63  }
0x40: {  	s11 =	simm.s32 $0x2C00  }
0x41: {  	[tilespmem:s11], [sflag:$0x1] =	stream.strided.gather [hbm4b:s29+s1], $0x200, s2, s1, $0x38;
	[tilespmem:$0x6A00] =	vst v63  }
0x42: {  	s12 =	simm.s32 $0x2E00  }
0x43: {  	[tilespmem:s12], [sflag:$0x1] =	stream.strided.gather [hbm4b:s30+s1], $0x200, s2, s1, $0x38;
	[tilespmem:$0x6A00] =	vst v63  }
0x44: {  	s10 =	simm.s32 $0x3000  }
0x45: {  	[tilespmem:s10], [sflag:$0x1] =	stream.strided.gather [hbm4b:s31+s1], $0x200, s2, s1, $0x38;
	[tilespmem:$0x6A00] =	vst v63  }
0x46: {  	s11 =	simm.s32 $0x3200  }
0x47: {  	[tilespmem:s11], [sflag:$0x1] =	stream.strided.gather [hbm4b:s0+s1], $0x200, s2, s1, $0x38;
	[tilespmem:$0x6A00] =	vst v63  }
0x48: {  	_ =	swait.ge [sflag:s5], $0x200  }
0x49: {  	[sflag:s5] =	ssyncset.done $0x0  }
0x4a: {  	[sflag:s5] =	ssyncadd.s32 $0xFFFFFE00  }
0x4b: {  	_ =	swait.ge [sflag:s5], $0x200  }
0x4c: {  	[sflag:s5] =	ssyncset.done $0x0  }
0x4d: {  	[sflag:s5] =	ssyncadd.s32 $0xFFFFFE00  }
0x4e: {  	_ =	swait.ge [sflag:s5], $0x200  }
0x4f: {  	[sflag:s5] =	ssyncset.done $0x0  }
0x50: {  	[sflag:s5] =	ssyncadd.s32 $0xFFFFFE00  }
0x51: {  	_ =	swait.ge [sflag:s5], $0x200  }
0x52: {  	[sflag:s5] =	ssyncset.done $0x0  }
0x53: {  	[sflag:s5] =	ssyncadd.s32 $0xFFFFFE00  }
0x54: {  	_ =	swait.ge [sflag:s5], $0x200  }
0x55: {  	[sflag:s5] =	ssyncset.done $0x0  }
0x56: {  	[sflag:s5] =	ssyncadd.s32 $0xFFFFFE00  }
0x57: {  	_ =	swait.ge [sflag:s5], $0x200  }
0x58: {  	[sflag:s5] =	ssyncset.done $0x0  }
0x59: {  	[sflag:s5] =	ssyncadd.s32 $0xFFFFFE00  }
0x5a: {  	_ =	swait.ge [sflag:s5], $0x200  }
0x5b: {  	[sflag:s5] =	ssyncset.done $0x0  }
0x5c: {  	[sflag:s5] =	ssyncadd.s32 $0xFFFFFE00  }
0x5d: {  	_ =	swait.ge [sflag:s5], $0x200  }
0x5e: {  	[sflag:s5] =	ssyncset.done $0x0  }
0x5f: {  	[sflag:s5] =	ssyncadd.s32 $0xFFFFFE00  }
0x60: {  	_ =	swait.ge [sflag:s5], $0x200  }
0x61: {  	[sflag:s5] =	ssyncset.done $0x0  }
0x62: {  	[sflag:s5] =	ssyncadd.s32 $0xFFFFFE00  }
0x63: {  	_ =	swait.ge [sflag:s5], $0x200  }
0x64: {  	[sflag:s5] =	ssyncset.done $0x0  }
0x65: {  	[sflag:s5] =	ssyncadd.s32 $0xFFFFFE00  }
0x66: {  	_ =	swait.ge [sflag:s5], $0x200  }
0x67: {  	[sflag:s5] =	ssyncset.done $0x0  }
0x68: {  	[sflag:s5] =	ssyncadd.s32 $0xFFFFFE00  }
0x69: {  	_ =	swait.ge [sflag:s5], $0x200  }
0x6a: {  	[sflag:s5] =	ssyncset.done $0x0  }
0x6b: {  	[sflag:s5] =	ssyncadd.s32 $0xFFFFFE00  }
0x6c: {  	_ =	swait.ge [sflag:s5], $0x200  }
0x6d: {  	[sflag:s5] =	ssyncset.done $0x0  }
0x6e: {  	[sflag:s5] =	ssyncadd.s32 $0xFFFFFE00  }
0x6f: {  	_ =	swait.ge [sflag:s5], $0x200  }
0x70: {  	[sflag:s5] =	ssyncset.done $0x0  }
0x71: {  	[sflag:s5] =	ssyncadd.s32 $0xFFFFFE00  }
0x72: {  	_ =	swait.ge [sflag:s5], $0x200  }
0x73: {  	[sflag:s5] =	ssyncset.done $0x0  }
0x74: {  	[sflag:s5] =	ssyncadd.s32 $0xFFFFFE00  }
0x75: {  	_ =	swait.ge [sflag:s5], $0x200  }
0x76: {  	[sflag:s5] =	ssyncset.done $0x0  }
0x77: {  	[sflag:s5] =	ssyncadd.s32 $0xFFFFFE00  }
0x78: {  	_ =	swait.ge [sflag:s5], $0x200  }
0x79: {  	[sflag:s5] =	ssyncset.done $0x0  }
0x7a: {  	[sflag:s5] =	ssyncadd.s32 $0xFFFFFE00  }
0x7b: {  	_ =	swait.ge [sflag:s5], $0x200  }
0x7c: {  	[sflag:s5] =	ssyncset.done $0x0  }
0x7d: {  	[sflag:s5] =	ssyncadd.s32 $0xFFFFFE00  }
0x7e: {  	_ =	swait.ge [sflag:s5], $0x200  }
0x7f: {  	[sflag:s5] =	ssyncset.done $0x0  }
0x80: {  	[sflag:s5] =	ssyncadd.s32 $0xFFFFFE00  }
0x81: {  	_ =	swait.ge [sflag:s5], $0x200  }
0x82: {  	[sflag:s5] =	ssyncset.done $0x0  }
0x83: {  	[sflag:s5] =	ssyncadd.s32 $0xFFFFFE00  }
0x84: {  	_ =	swait.ge [sflag:s5], $0x200  }
0x85: {  	[sflag:s5] =	ssyncset.done $0x0  }
0x86: {  	[sflag:s5] =	ssyncadd.s32 $0xFFFFFE00  }
0x87: {  	_ =	swait.ge [sflag:s5], $0x200  }
0x88: {  	[sflag:s5] =	ssyncset.done $0x0  }
0x89: {  	[sflag:s5] =	ssyncadd.s32 $0xFFFFFE00  }
0x8a: {  	_ =	swait.ge [sflag:s5], $0x200  }
0x8b: {  	[sflag:s5] =	ssyncset.done $0x0  }
0x8c: {  	[sflag:s5] =	ssyncadd.s32 $0xFFFFFE00  }
0x8d: {  	_ =	swait.ge [sflag:s5], $0x200  }
0x8e: {  	[sflag:s5] =	ssyncset.done $0x0  }
0x8f: {  	[sflag:s5] =	ssyncadd.s32 $0xFFFFFE00  }
0x90: {  	_ =	swait.ge [sflag:s5], $0x200  }
0x91: {  	[sflag:s5] =	ssyncset.done $0x0  }
0x92: {  	[sflag:s5] =	ssyncadd.s32 $0xFFFFFE00  }
0x93: {  	_ =	swait.ge [sflag:s5], $0x200  }
0x94: {  	[sflag:s5] =	ssyncset.done $0x0  }
0x95: {  	[sflag:s5] =	ssyncadd.s32 $0xFFFFFE00  }
0x96: {  	s9 =	simm.s32 $0x3400;
	s12 =	rddreg [dreg:$0x1]  }
0x97: {  	[tilespmem:s9], [sflag:$0x1] =	stream.indirect.gather [hbm4b:s12+s9], $0x1, s3, s9, $0xb8;
	[tilespmem:$0x6A00] =	vst v63  }
0x98: {  	_ =	swait.ge [sflag:s5], $0x3400  }
0x99: {  	[sflag:s5] =	ssyncset.done $0x0  }
0x9a: {  	s11 =	sand.u32 $0x1F0, s3;
	[sflag:s5] =	ssyncadd.s32 $0xFFFFCC00  }
0x9b: {  	v0 =	vld [tilespmem:s11+$0x3800]  }
0x9c: {  	v1 =	vld [tilespmem:s9+$0x0]  }
0x9d: {  	v2 =	vld [tilespmem:s11+$0x3600]  }
0x9e: {  	v3 =	vld [tilespmem:s11+$0x3A00]  }
0x9f: {  	v4 =	vld [tilespmem:s11+$0x3C00]  }
0xa0: {  	v5 =	vld [tilespmem:s11+$0x3E00]  }
0xa1: {  	v6 =	vld [tilespmem:s11+$0x4000]  }
0xa2: {  	v7 =	vld [tilespmem:s11+$0x4200]  }
0xa3: {  	v0 =	vadd.f32 v0, v1;
	v1 =	vadd.f32 v3, v2;
	v2 =	vld [tilespmem:s11+$0x4400]  }
0xa4: {  	v3 =	vld [tilespmem:s11+$0x4600]  }
0xa5: {  	v52 =	vld [tilespmem:s11+$0x4800];
	v0 =	vadd.f32 v4, v0;
	v1 =	vadd.f32 v5, v1  }
0xa6: {  	v53 =	vld [tilespmem:s11+$0x4A00]  }
0xa7: {  	v54 =	vld [tilespmem:s11+$0x4C00];
	v0 =	vadd.f32 v6, v0;
	v1 =	vadd.f32 v7, v1  }
0xa8: {  	v55 =	vld [tilespmem:s11+$0x4E00]  }
0xa9: {  	v0 =	vadd.f32 v2, v0;
	v1 =	vadd.f32 v3, v1;
	v2 =	vld [tilespmem:s11+$0x5000]  }
0xaa: {  	v3 =	vld [tilespmem:s11+$0x5200]  }
0xab: {  	v56 =	vld [tilespmem:s11+$0x5400];
	v0 =	vadd.f32 v52, v0;
	v1 =	vadd.f32 v53, v1  }
0xac: {  	v57 =	vld [tilespmem:s11+$0x5600]  }
0xad: {  	v58 =	vld [tilespmem:s11+$0x5800];
	v0 =	vadd.f32 v54, v0;
	v1 =	vadd.f32 v55, v1  }
0xae: {  	v59 =	vld [tilespmem:s11+$0x5A00]  }
0xaf: {  	v0 =	vadd.f32 v2, v0;
	v1 =	vadd.f32 v3, v1;
	v2 =	vld [tilespmem:s11+$0x5C00]  }
0xb0: {  	v3 =	vld [tilespmem:s11+$0x5E00]  }
0xb1: {  	v60 =	vld [tilespmem:s11+$0x6000];
	v0 =	vadd.f32 v56, v0;
	v1 =	vadd.f32 v57, v1  }
0xb2: {  	v61 =	vld [tilespmem:s11+$0x6200]  }
0xb3: {  	v62 =	vld [tilespmem:s11+$0x6400];
	v0 =	vadd.f32 v58, v0;
	v1 =	vadd.f32 v59, v1  }
0xb4: {  	v63 =	vld [tilespmem:s11+$0x6600]  }
0xb5: {  	v0 =	vadd.f32 v2, v0;
	v1 =	vadd.f32 v3, v1;
	_ =	sdelay $0x1  }
0xb6: {  	v0 =	vadd.f32 v60, v0;
	v1 =	vadd.f32 v61, v1;
	_ =	sdelay $0x1  }
0xb7: {  	v0 =	vadd.f32 v62, v0;
	v1 =	vadd.f32 v63, v1;
	_ =	sdelay $0x1  }
0xb8: {  	v0 =	vadd.f32 v1, v0;
	_ =	sdelay $0x1  }
0xb9: {  	v0 =	vsub.f32 $0.0e+00, v0;
	_ =	sdelay $0x1  }
0xba: {  	v0 =	vmul.f32 $1.442695020e+00, v0;
	_ =	sdelay $0x1  }
0xbb: {  	(erf) = vpow2.f32 v0;
	_ =	sdelay $0x8  }
0xbc: {  	v0 =	vpop (erf)  }
0xbd: {  	v0 =	vadd.f32 $1.000000000e+00, v0;
	_ =	sdelay $0x1  }
0xbe: {  	(erf) = vrcp.f32 v0;
	_ =	sdelay $0x8  }
0xbf: {  	s12 =	simm.s32 $0x10;
	v0 =	vpop (erf)  }
0xc0: {  	s12 =	sand.u32 $0x1F0, s12;
	[tilespmem:s6+$0x0] =	vst v0  }
0xc1: {  	s10 =	simm.s32 $0x3410;
	v0 =	vld [tilespmem:s12+$0x3800]  }
0xc2: {  	v1 =	vld [tilespmem:s10+$0x0]  }
0xc3: {  	s9 =	simm.s32 $0x6800;
	s11 =	simm.s32 $0x20;
	v2 =	vld [tilespmem:s12+$0x3600]  }
.LBB2_2:
0xc4: {  	p0 =	sne.s32 s11, $0x1F0;
	v3 =	vld [tilespmem:s12+$0x3A00]  }
0xc5: {  	v4 =	vld [tilespmem:s12+$0x3C00]  }
0xc6: {  	v5 =	vld [tilespmem:s12+$0x3E00]  }
0xc7: {  	v6 =	vld [tilespmem:s12+$0x4000]  }
0xc8: {  	v7 =	vld [tilespmem:s12+$0x4200]  }
0xc9: {  	v0 =	vadd.f32 v0, v1;
	v1 =	vadd.f32 v3, v2;
	v2 =	vld [tilespmem:s12+$0x4400]  }
0xca: {  	v3 =	vld [tilespmem:s12+$0x4600]  }
0xcb: {  	v0 =	vadd.f32 v4, v0;
	v1 =	vadd.f32 v5, v1;
	v4 =	vld [tilespmem:s12+$0x4800]  }
0xcc: {  	v5 =	vld [tilespmem:s12+$0x4A00]  }
0xcd: {  	v0 =	vadd.f32 v6, v0;
	v1 =	vadd.f32 v7, v1;
	v6 =	vld [tilespmem:s12+$0x4C00]  }
0xce: {  	v7 =	vld [tilespmem:s12+$0x4E00]  }
0xcf: {  	v0 =	vadd.f32 v2, v0;
	v1 =	vadd.f32 v3, v1;
	v2 =	vld [tilespmem:s12+$0x5000]  }
0xd0: {  	v3 =	vld [tilespmem:s12+$0x5200]  }
0xd1: {  	v0 =	vadd.f32 v4, v0;
	v1 =	vadd.f32 v5, v1;
	v4 =	vld [tilespmem:s12+$0x5400]  }
0xd2: {  	v5 =	vld [tilespmem:s12+$0x5600]  }
0xd3: {  	v0 =	vadd.f32 v6, v0;
	v1 =	vadd.f32 v7, v1;
	v6 =	vld [tilespmem:s12+$0x5800]  }
0xd4: {  	v7 =	vld [tilespmem:s12+$0x5A00]  }
0xd5: {  	v0 =	vadd.f32 v2, v0;
	v1 =	vadd.f32 v3, v1;
	v2 =	vld [tilespmem:s12+$0x5C00]  }
0xd6: {  	v3 =	vld [tilespmem:s12+$0x5E00]  }
0xd7: {  	v0 =	vadd.f32 v4, v0;
	v1 =	vadd.f32 v5, v1;
	v4 =	vld [tilespmem:s12+$0x6000]  }
0xd8: {  	v5 =	vld [tilespmem:s12+$0x6200]  }
0xd9: {  	v0 =	vadd.f32 v6, v0;
	v1 =	vadd.f32 v7, v1;
	v6 =	vld [tilespmem:s12+$0x6400]  }
0xda: {  	v7 =	vld [tilespmem:s12+$0x6600]  }
0xdb: {  	v0 =	vadd.f32 v2, v0;
	v1 =	vadd.f32 v3, v1;
	_ =	sdelay $0x1  }
0xdc: {  	v0 =	vadd.f32 v4, v0;
	v1 =	vadd.f32 v5, v1;
	_ =	sdelay $0x1  }
0xdd: {  	v0 =	vadd.f32 v6, v0;
	v1 =	vadd.f32 v7, v1;
	_ =	sdelay $0x1  }
0xde: {  	v0 =	vadd.f32 v1, v0;
	_ =	sdelay $0x1  }
0xdf: {  	v0 =	vsub.f32 $0.0e+00, v0;
	_ =	sdelay $0x1  }
0xe0: {  	v0 =	vmul.f32 $1.442695020e+00, v0;
	_ =	sdelay $0x1  }
0xe1: {  	(erf) = vpow2.f32 v0;
	_ =	sdelay $0x8  }
0xe2: {  	v0 =	vpop (erf)  }
0xe3: {  	v0 =	vadd.f32 $1.000000000e+00, v0;
	_ =	sdelay $0x1  }
0xe4: {  	(erf) = vrcp.f32 v0;
	_ =	sdelay $0x8  }
.Ltmp0:
0xe5: {  	s9 =	sadd.s32 $0x10, s9;
	v0 =	vpop (erf);
	(pc) =	sbr.rel @p0 .LBB2_2-.Ltmp0, $4  }
0xe6: {  	s12 =	sand.u32 $0x1F0, s11;
	[tilespmem:s9+$0x0] =	vst v0  }
0xe7: {  	s10 =	sadd.s32 $0x10, s10;
	v0 =	vld [tilespmem:s12+$0x3800]  }
0xe8: {  	v1 =	vld [tilespmem:s10+$0x0]  }
0xe9: {  	s11 =	sadd.s32 $0x10, s11;
	v2 =	vld [tilespmem:s12+$0x3600]  }
0xea: {  	v3 =	vld [tilespmem:s12+$0x3A00]  }
0xeb: {  	v4 =	vld [tilespmem:s12+$0x3C00]  }
0xec: {  	v5 =	vld [tilespmem:s12+$0x3E00]  }
0xed: {  	v6 =	vld [tilespmem:s12+$0x4000]  }
0xee: {  	v7 =	vld [tilespmem:s12+$0x4200]  }
0xef: {  	v46 =	vld [tilespmem:s12+$0x4400];
	v0 =	vadd.f32 v0, v1;
	v45 =	vadd.f32 v3, v2  }
0xf0: {  	v47 =	vld [tilespmem:s12+$0x4600]  }
0xf1: {  	v48 =	vld [tilespmem:s12+$0x4800];
	v0 =	vadd.f32 v4, v0;
	v1 =	vadd.f32 v5, v45  }
0xf2: {  	v49 =	vld [tilespmem:s12+$0x4A00]  }
0xf3: {  	v50 =	vld [tilespmem:s12+$0x4C00];
	v0 =	vadd.f32 v6, v0;
	v1 =	vadd.f32 v7, v1  }
0xf4: {  	v51 =	vld [tilespmem:s12+$0x4E00]  }
0xf5: {  	v52 =	vld [tilespmem:s12+$0x5000];
	v0 =	vadd.f32 v46, v0;
	v1 =	vadd.f32 v47, v1  }
0xf6: {  	v53 =	vld [tilespmem:s12+$0x5200]  }
0xf7: {  	v54 =	vld [tilespmem:s12+$0x5400];
	v0 =	vadd.f32 v48, v0;
	v1 =	vadd.f32 v49, v1  }
0xf8: {  	v55 =	vld [tilespmem:s12+$0x5600]  }
0xf9: {  	v56 =	vld [tilespmem:s12+$0x5800];
	v0 =	vadd.f32 v50, v0;
	v1 =	vadd.f32 v51, v1  }
0xfa: {  	v57 =	vld [tilespmem:s12+$0x5A00]  }
0xfb: {  	v58 =	vld [tilespmem:s12+$0x5C00];
	v0 =	vadd.f32 v52, v0;
	v1 =	vadd.f32 v53, v1  }
0xfc: {  	v59 =	vld [tilespmem:s12+$0x5E00]  }
0xfd: {  	v60 =	vld [tilespmem:s12+$0x6000];
	v0 =	vadd.f32 v54, v0;
	v1 =	vadd.f32 v55, v1  }
0xfe: {  	v61 =	vld [tilespmem:s12+$0x6200]  }
0xff: {  	v62 =	vld [tilespmem:s12+$0x6400];
	v0 =	vadd.f32 v56, v0;
	v1 =	vadd.f32 v57, v1  }
0x100: {  	v63 =	vld [tilespmem:s12+$0x6600]  }
0x101: {  	v0 =	vadd.f32 v58, v0;
	v1 =	vadd.f32 v59, v1;
	_ =	sdelay $0x1  }
0x102: {  	v0 =	vadd.f32 v60, v0;
	v1 =	vadd.f32 v61, v1;
	_ =	sdelay $0x1  }
0x103: {  	v0 =	vadd.f32 v62, v0;
	v1 =	vadd.f32 v63, v1;
	_ =	sdelay $0x1  }
0x104: {  	v0 =	vadd.f32 v1, v0;
	_ =	sdelay $0x1  }
0x105: {  	v0 =	vsub.f32 $0.0e+00, v0;
	_ =	sdelay $0x1  }
0x106: {  	v0 =	vmul.f32 $1.442695020e+00, v0;
	_ =	sdelay $0x1  }
0x107: {  	(erf) = vpow2.f32 v0;
	_ =	sdelay $0x8  }
0x108: {  	v0 =	vpop (erf)  }
0x109: {  	v0 =	vadd.f32 $1.000000000e+00, v0;
	_ =	sdelay $0x1  }
0x10a: {  	(erf) = vrcp.f32 v0;
	_ =	sdelay $0x7  }
0x10b: {  	s8 =	sadd.s32 $0x1, s8  }
0x10c: {  	s9 =	sadd.s32 $0x10, s9;
	p0 =	sne.s32 s8, s25;
	v0 =	vpop (erf)  }
.Ltmp1:
0x10d: {  	[tilespmem:s9+$0x0] =	vst v0;
	(pc) =	sbr.rel @p0 .LBB2_1-.Ltmp1, $4  }
0x10e: {  	[hbm4b:s23+s3] =	stream.linear.scatter [tilespmem:s6], [sflag:$0x2], $0x200, $0x38;
	[tilespmem:$0x6A00] =	vst v63  }
0x10f: {  	_ =	swait.ge [sflag:s7], $0x200  }
0x110: {  	[sflag:s7] =	ssyncset.done $0x0  }
0x111: {  	[sflag:s7] =	ssyncadd.s32 $0xFFFFFE00  }
0x112: {  	_ =	sfence.sel $0x180000  }
0x113: {  	[bflag:$0x0] =	sbarrier.arrive $0xFFFF  }
0x114: {  	_ =	strace $0x90000047  }
0x115: {  	s0 =	stileid.u32;
	[bflag:$0x2] =	sbarrier.arrive $0xFFFF  }
0x116: {  	p0 =	sne.s32 s0, $0x0;
	s0 =	rddreg [dreg:$0x3]  }
0x117: {  	s0 =	sadd.s32 @!p0 $0x100000, s0  }
0x118: {  	[sflag:s0] =	ssyncadd.tile.s32 @!p0 $0x1;
	_ =	shalt  }
.Lfunc_end2:
_tile_overlayer_lowered:
.L_overlay_start_2:
0x119: {  	(tag) =	ssettag $0x2  }
0x11a: {  	s0 =	rddreg [dreg:$0x0];
	s2 =	stileid.u32  }
0x11b: {  	s1 =	rddreg [dreg:$0x1];
	p0 =	sne.s32 s2, $0x0  }
0x11c: {  	s3 =	rddreg [dreg:$0x2];
	[bflag:$0x3] =	sbarrier.arrive $0xFFFF;
	s2 =	simm.s32 @!p0 $0x1C02  }
0x11d: {  	[timem:s3], [sflag:s2] =	dma.local @!p0 [hbm:s0], s1  }
0x11e: {  	s0 =	simm.s32 @!p0 $0x2  }
0x11f: {  	_ =	swait.ge @!p0 [sflag:s0], s1  }
0x120: {  	s1 =	ssub.s32 @!p0 $0x0, s1;
	[sflag:s0] =	ssyncset.done @!p0 $0x0  }
0x121: {  	[sflag:s0] =	ssyncadd.s32 @!p0 s1  }
0x122: {  	[bflag:$0x3] =	sbarrier.arrive $0xFFFF  }
0x123: {  	_ =	shalt  }

</sc_bundles>
